<compile_context>
chip_gen: v7x
topology: tpu7x:2x2x1
jax: 0.10.2.dev20260603
libtpu: 0.0.44.dev20260713+nightly
codegen_flags: <defaults>
</compile_context>

<pallas_src>
import jax
import jax.numpy as jnp
from jax import lax
from jax.experimental import pallas as pl
from jax.experimental.pallas import tpu as pltpu
from jax.experimental.pallas import tpu_sc as plsc

N = 10000
E = 160000
H = 256
HH = 128
NG = 64
NB = 25
R = N // NB
NSUB = 16
NP = 10240
RPT = NP // NSUB
EPSUB = E // NSUB
ECH = 128
ECH_NCH = 80
BNEPS = 1e-5

def _sc_mesh():
    return plsc.VectorSubcoreMesh(core_axis_name="c", subcore_axis_name="s",
                                  num_cores=2, num_subcores=NSUB)



def _sc_deg_body(dst3_hbm, ones_hbm, zero_hbm, out_hbm, dstv, ones_v, ss, acc):
    c = lax.axis_index("c")
    s = lax.axis_index("s")
    pltpu.sync_copy(zero_hbm, acc.at[pl.ds(s * RPT, RPT)])
    pltpu.sync_copy(ones_hbm, ones_v)
    pltpu.sync_copy(dst3_hbm.at[s], dstv)
    plsc.subcore_barrier()
    nch = 40
    base = c * 40

    def chunk(j, carry):
        pltpu.async_copy(ones_v, acc.at[dstv.at[base + j]], ss, add=True)
        return carry

    lax.fori_loop(0, nch, chunk, 0)

    def drain(j, carry):
        pltpu.make_async_copy(ones_v, acc.at[dstv.at[0]], ss).wait()
        return carry

    lax.fori_loop(0, nch, drain, 0)
    plsc.subcore_barrier()
    pltpu.sync_copy(acc.at[pl.ds(s * RPT, RPT)],
                    out_hbm.at[pl.ds(c * NP + s * RPT, RPT)])


def _sc_deg(dst3, ones_rows, zero_rows):
    return pl.kernel(
        _sc_deg_body,
        jax.ShapeDtypeStruct((2 * NP, HH), jnp.float32),
        mesh=_sc_mesh(),
        scratch_types=[
            pltpu.VMEM((ECH_NCH, ECH), jnp.int32),
            pltpu.VMEM((ECH, HH), jnp.float32),
            pltpu.SemaphoreType.DMA,
            pltpu.VMEM_SHARED((NP, HH), jnp.float32),
        ],
    )(dst3, ones_rows, zero_rows)


def _sc_agg_body(ytab_hbm, srco_hbm, dst3_hbm, out_hbm,
                 dstv, srcA, srcB, rowsA, rowsB, gsA, gsB, ssA, ssB, acc):
    c = lax.axis_index("c")
    s = lax.axis_index("s")
    w = c * NSUB + s
    pltpu.sync_copy(ytab_hbm.at[pl.ds(c * NP + s * RPT, RPT)],
                    acc.at[pl.ds(s * RPT, RPT)])
    pltpu.sync_copy(dst3_hbm.at[s], dstv)
    plsc.subcore_barrier()

    def pair(g, carry):
        jA = 2 * g
        jB = jA + 1
        pltpu.sync_copy(srco_hbm.at[w * ECH_NCH + jA], srcA)

        @pl.when(g > 0)
        def _():
            pltpu.make_async_copy(rowsA, acc.at[dstv.at[jA]], ssA).wait()
        gA = pltpu.async_copy(ytab_hbm.at[srcA], rowsA, gsA)
        pltpu.sync_copy(srco_hbm.at[w * ECH_NCH + jB], srcB)

        @pl.when(g > 0)
        def _():
            pltpu.make_async_copy(rowsB, acc.at[dstv.at[jB]], ssB).wait()
        gB = pltpu.async_copy(ytab_hbm.at[srcB], rowsB, gsB)
        gA.wait()
        pltpu.async_copy(rowsA, acc.at[dstv.at[jA]], ssA, add=True)
        gB.wait()
        pltpu.async_copy(rowsB, acc.at[dstv.at[jB]], ssB, add=True)
        return carry

    lax.fori_loop(0, ECH_NCH // 2, pair, 0)
    pltpu.make_async_copy(rowsA, acc.at[dstv.at[0]], ssA).wait()
    pltpu.make_async_copy(rowsB, acc.at[dstv.at[0]], ssB).wait()
    plsc.subcore_barrier()
    pltpu.sync_copy(acc.at[pl.ds(s * RPT, RPT)],
                    out_hbm.at[pl.ds(c * NP + s * RPT, RPT)])


def _sc_agg(ytab, srco, dst3):
    return pl.kernel(
        _sc_agg_body,
        jax.ShapeDtypeStruct((2 * NP, HH), jnp.float32),
        mesh=_sc_mesh(),
        scratch_types=[
            pltpu.VMEM((ECH_NCH, ECH), jnp.int32),
            pltpu.VMEM((ECH,), jnp.int32),
            pltpu.VMEM((ECH,), jnp.int32),
            pltpu.VMEM((ECH, HH), jnp.float32),
            pltpu.VMEM((ECH, HH), jnp.float32),
            pltpu.SemaphoreType.DMA,
            pltpu.SemaphoreType.DMA,
            pltpu.SemaphoreType.DMA,
            pltpu.SemaphoreType.DMA,
            pltpu.VMEM_SHARED((NP, HH), jnp.float32),
        ],
    )(ytab, srco, dst3)


def _pad_edges(idx):
    per = idx.reshape(NSUB, EPSUB)
    npad = ECH_NCH * ECH - EPSUB
    padv = N + (jnp.arange(npad, dtype=jnp.int32) % (NP - N))
    pad = jnp.broadcast_to(padv, (NSUB, npad))
    return jnp.concatenate([per, pad], axis=1).reshape(NSUB, ECH_NCH, ECH)



def _gelu(v):
    return 0.5 * v * (1.0 + lax.erf(v * 0.7071067811865476))


def _bn_apply(p, s_ref, q_ref, g_ref, be_ref):
    m = s_ref[...] * (1.0 / N)
    var = q_ref[...] * (1.0 / N) - m * m
    rstd = lax.rsqrt(var + BNEPS)
    return (p - m) * rstd * g_ref[...] + be_ref[...]


def _k1_body(x_ref, w_ref, b_ref, p_ref, s_ref, q_ref, accS, accQ):
    i = pl.program_id(0)
    p = jnp.dot(x_ref[...], w_ref[...], preferred_element_type=jnp.float32) + b_ref[...]
    p_ref[...] = p
    ps = jnp.sum(p, axis=0, keepdims=True)
    pq = jnp.sum(p * p, axis=0, keepdims=True)

    @pl.when(i == 0)
    def _():
        accS[...] = ps
        accQ[...] = pq

    @pl.when(i > 0)
    def _():
        accS[...] += ps
        accQ[...] += pq

    @pl.when(i == NB - 1)
    def _():
        s_ref[...] = accS[...]
        q_ref[...] = accQ[...]


def _k1(x, W_in, b_in):
    return pl.pallas_call(
        _k1_body,
        grid=(NB,),
        in_specs=[
            pl.BlockSpec((R, H), lambda i: (i, 0)),
            pl.BlockSpec((H, H), lambda i: (0, 0)),
            pl.BlockSpec((1, H), lambda i: (0, 0)),
        ],
        out_specs=[
            pl.BlockSpec((R, H), lambda i: (i, 0)),
            pl.BlockSpec((1, H), lambda i: (0, 0)),
            pl.BlockSpec((1, H), lambda i: (0, 0)),
        ],
        out_shape=[
            jax.ShapeDtypeStruct((N, H), jnp.float32),
            jax.ShapeDtypeStruct((1, H), jnp.float32),
            jax.ShapeDtypeStruct((1, H), jnp.float32),
        ],
        scratch_shapes=[
            pltpu.VMEM((1, H), jnp.float32),
            pltpu.VMEM((1, H), jnp.float32),
        ],
    )(x, W_in, b_in)


def _k3_body(p_ref, s_ref, q_ref, g_ref, be_ref, degA, degB, w_ref, batch_ref,
             h0_ref, y_ref, dinv_ref, xs_ref, cnt_ref, accXS, accCNT):
    i = pl.program_id(0)
    c = pl.program_id(1)
    h0 = _bn_apply(p_ref[...], s_ref, q_ref, g_ref, be_ref)
    d = degA[0, :, 0:1] + degB[0, :, 0:1] + 1.0
    dinv = lax.rsqrt(d)
    y = jnp.dot(h0, w_ref[...], preferred_element_type=jnp.float32) * dinv
    y_ref[0] = y

    @pl.when(c == 0)
    def _():
        h0_ref[...] = h0
        dinv_ref[...] = dinv
        onehot = (batch_ref[...] == lax.broadcasted_iota(jnp.int32, (1, NG), 1)
                  ).astype(jnp.float32)
        pxs = lax.dot_general(onehot, h0, (((0,), (0,)), ((), ())),
                              preferred_element_type=jnp.float32)
        pcnt = lax.dot_general(onehot, jnp.ones((R, 1), jnp.float32),
                               (((0,), (0,)), ((), ())),
                               preferred_element_type=jnp.float32)

        @pl.when(i == 0)
        def _():
            accXS[...] = pxs
            accCNT[...] = pcnt

        @pl.when(i > 0)
        def _():
            accXS[...] += pxs
            accCNT[...] += pcnt

    @pl.when((i == NB - 1) & (c == 1))
    def _():
        xs_ref[...] = accXS[...]
        cnt_ref[...] = accCNT[...]


def _k3(P, S, Q, g, be, degp, W1, batch2d):
    return pl.pallas_call(
        _k3_body,
        grid=(NB, 2),
        in_specs=[
            pl.BlockSpec((R, H), lambda i, c: (i, 0)),
            pl.BlockSpec((1, H), lambda i, c: (0, 0)),
            pl.BlockSpec((1, H), lambda i, c: (0, 0)),
            pl.BlockSpec((1, H), lambda i, c: (0, 0)),
            pl.BlockSpec((1, H), lambda i, c: (0, 0)),
            pl.BlockSpec((1, R, HH), lambda i, c: (0, i, 0)),
            pl.BlockSpec((1, R, HH), lambda i, c: (1, i, 0)),
            pl.BlockSpec((H, HH), lambda i, c: (0, c)),
            pl.BlockSpec((R, 1), lambda i, c: (i, 0)),
        ],
        out_specs=[
            pl.BlockSpec((R, H), lambda i, c: (i, 0)),
            pl.BlockSpec((1, R, HH), lambda i, c: (c, i, 0)),
            pl.BlockSpec((R, 1), lambda i, c: (i, 0)),
            pl.BlockSpec((NG, H), lambda i, c: (0, 0)),
            pl.BlockSpec((NG, 1), lambda i, c: (0, 0)),
        ],
        out_shape=[
            jax.ShapeDtypeStruct((N, H), jnp.float32),
            jax.ShapeDtypeStruct((2, NP, HH), jnp.float32),
            jax.ShapeDtypeStruct((N, 1), jnp.float32),
            jax.ShapeDtypeStruct((NG, H), jnp.float32),
            jax.ShapeDtypeStruct((NG, 1), jnp.float32),
        ],
        scratch_shapes=[
            pltpu.VMEM((NG, H), jnp.float32),
            pltpu.VMEM((NG, 1), jnp.float32),
        ],
    )(P, S, Q, g, be, degp, degp, W1, batch2d)


def _k5_body(aggA, aggB, dinv_ref, b_ref, s_ref, q_ref, accS, accQ):
    i = pl.program_id(0)
    agg = jnp.concatenate([aggA[0], aggB[0]], axis=1)
    cp = agg * dinv_ref[...] + b_ref[...]
    ps = jnp.sum(cp, axis=0, keepdims=True)
    pq = jnp.sum(cp * cp, axis=0, keepdims=True)

    @pl.when(i == 0)
    def _():
        accS[...] = ps
        accQ[...] = pq

    @pl.when(i > 0)
    def _():
        accS[...] += ps
        accQ[...] += pq

    @pl.when(i == NB - 1)
    def _():
        s_ref[...] = accS[...]
        q_ref[...] = accQ[...]


def _k5(agg3, dinv, b):
    return pl.pallas_call(
        _k5_body,
        grid=(NB,),
        in_specs=[
            pl.BlockSpec((1, R, HH), lambda i: (0, i, 0)),
            pl.BlockSpec((1, R, HH), lambda i: (1, i, 0)),
            pl.BlockSpec((R, 1), lambda i: (i, 0)),
            pl.BlockSpec((1, H), lambda i: (0, 0)),
        ],
        out_specs=[
            pl.BlockSpec((1, H), lambda i: (0, 0)),
            pl.BlockSpec((1, H), lambda i: (0, 0)),
        ],
        out_shape=[
            jax.ShapeDtypeStruct((1, H), jnp.float32),
            jax.ShapeDtypeStruct((1, H), jnp.float32),
        ],
        scratch_shapes=[
            pltpu.VMEM((1, H), jnp.float32),
            pltpu.VMEM((1, H), jnp.float32),
        ],
    )(agg3, agg3, dinv, b)


def _k6_body(aggA, aggB, b_ref, s_ref, q_ref, g_ref, be_ref, hprev_ref,
             w_ref, dinv_ref, h1_ref, y_ref):
    c = pl.program_id(1)
    cp = jnp.concatenate([aggA[0], aggB[0]], axis=1) * dinv_ref[...] + b_ref[...]
    hb = _gelu(_bn_apply(cp, s_ref, q_ref, g_ref, be_ref))
    h1 = hb + hprev_ref[...]
    y = jnp.dot(h1, w_ref[...], preferred_element_type=jnp.float32) * dinv_ref[...]
    y_ref[0] = y

    @pl.when(c == 0)
    def _():
        h1_ref[...] = h1


def _k6(agg3, b, S, Q, g, be, hprev, W, dinv):
    return pl.pallas_call(
        _k6_body,
        grid=(NB, 2),
        in_specs=[
            pl.BlockSpec((1, R, HH), lambda i, c: (0, i, 0)),
            pl.BlockSpec((1, R, HH), lambda i, c: (1, i, 0)),
            pl.BlockSpec((1, H), lambda i, c: (0, 0)),
            pl.BlockSpec((1, H), lambda i, c: (0, 0)),
            pl.BlockSpec((1, H), lambda i, c: (0, 0)),
            pl.BlockSpec((1, H), lambda i, c: (0, 0)),
            pl.BlockSpec((1, H), lambda i, c: (0, 0)),
            pl.BlockSpec((R, H), lambda i, c: (i, 0)),
            pl.BlockSpec((H, HH), lambda i, c: (0, c)),
            pl.BlockSpec((R, 1), lambda i, c: (i, 0)),
        ],
        out_specs=[
            pl.BlockSpec((R, H), lambda i, c: (i, 0)),
            pl.BlockSpec((1, R, HH), lambda i, c: (c, i, 0)),
        ],
        out_shape=[
            jax.ShapeDtypeStruct((N, H), jnp.float32),
            jax.ShapeDtypeStruct((2, NP, HH), jnp.float32),
        ],
    )(agg3, agg3, b, S, Q, g, be, hprev, W, dinv)


def _k8b_body(aggA, aggB, b_ref, dinv_ref, s_ref, q_ref, g_ref, be_ref,
              hprev_ref, batch_ref, xg_ref, accXG):
    i = pl.program_id(0)
    cp = jnp.concatenate([aggA[0], aggB[0]], axis=1) * dinv_ref[...] + b_ref[...]
    hb = _gelu(_bn_apply(cp, s_ref, q_ref, g_ref, be_ref))
    h2 = hb + hprev_ref[...]
    onehot = (batch_ref[...] == lax.broadcasted_iota(jnp.int32, (1, NG), 1)
              ).astype(jnp.float32)
    pxg = lax.dot_general(onehot, h2, (((0,), (0,)), ((), ())),
                          preferred_element_type=jnp.float32)

    @pl.when(i == 0)
    def _():
        accXG[...] = pxg

    @pl.when(i > 0)
    def _():
        accXG[...] += pxg

    @pl.when(i == NB - 1)
    def _():
        xg_ref[...] = accXG[...]


def _k8b(agg3, b, dinv, S, Q, g, be, hprev, batch2d):
    return pl.pallas_call(
        _k8b_body,
        grid=(NB,),
        in_specs=[
            pl.BlockSpec((1, R, HH), lambda i: (0, i, 0)),
            pl.BlockSpec((1, R, HH), lambda i: (1, i, 0)),
            pl.BlockSpec((1, H), lambda i: (0, 0)),
            pl.BlockSpec((R, 1), lambda i: (i, 0)),
            pl.BlockSpec((1, H), lambda i: (0, 0)),
            pl.BlockSpec((1, H), lambda i: (0, 0)),
            pl.BlockSpec((1, H), lambda i: (0, 0)),
            pl.BlockSpec((1, H), lambda i: (0, 0)),
            pl.BlockSpec((R, H), lambda i: (i, 0)),
            pl.BlockSpec((R, 1), lambda i: (i, 0)),
        ],
        out_specs=[pl.BlockSpec((NG, H), lambda i: (0, 0))],
        out_shape=[jax.ShapeDtypeStruct((NG, H), jnp.float32)],
        scratch_shapes=[pltpu.VMEM((NG, H), jnp.float32)],
    )(agg3, agg3, b, dinv, S, Q, g, be, hprev, batch2d)


def _k9_body(xg_ref, xs_ref, cnt_ref, wf_ref, bf_ref, wc1_ref, bc1_ref,
             wc2_ref, bc2_ref, o_ref):
    inv = 1.0 / jnp.maximum(cnt_ref[...], 1.0)
    xg = xg_ref[...] * inv
    xs = xs_ref[...] * inv
    f = jnp.dot(xg, wf_ref[0:H], preferred_element_type=jnp.float32) + \
        jnp.dot(xs, wf_ref[H:2 * H], preferred_element_type=jnp.float32) + \
        bf_ref[...]
    f = _gelu(f)
    l1 = _gelu(jnp.dot(f, wc1_ref[...], preferred_element_type=jnp.float32)
               + bc1_ref[...])
    logits = jnp.dot(l1, wc2_ref[...], preferred_element_type=jnp.float32) \
        + bc2_ref[...]
    mx = jnp.max(logits, axis=1, keepdims=True)
    lse = jnp.log(jnp.sum(jnp.exp(logits - mx), axis=1, keepdims=True)) + mx
    o_ref[...] = logits - lse


def _k9(xg, xs, cnt, Wf, bf, Wc1, bc1, Wc2, bc2):
    return pl.pallas_call(
        _k9_body,
        out_shape=jax.ShapeDtypeStruct((NG, 20), jnp.float32),
    )(xg, xs, cnt, Wf, bf, Wc1, bc1, Wc2, bc2)



def kernel(x, edge_index, batch, W_in, b_in, g_in, be_in, W1, b1, g1, be1,
           W2, b2, g2, be2, Wf, bf, Wc1, bc1, Wc2, bc2):
    f32 = jnp.float32
    src = edge_index[0]
    dst = edge_index[1]
    batch2d = batch.reshape(N, 1)
    src3 = _pad_edges(src)
    dst3 = _pad_edges(dst)
    srco = jnp.concatenate([src3[None], src3[None] + NP],
                           axis=0).reshape(2 * NSUB * ECH_NCH, ECH)
    ones_rows = jnp.ones((ECH, HH), f32)
    zero_rows = jnp.zeros((RPT, HH), f32)

    P, S0, Q0 = _k1(x, W_in, b_in.reshape(1, H))

    degp = _sc_deg(dst3, ones_rows, zero_rows).reshape(2, NP, HH)

    h0, y1tab, dinv, xs_sum, cnt = _k3(
        P, S0, Q0, g_in.reshape(1, H), be_in.reshape(1, H), degp, W1, batch2d)

    agg1 = _sc_agg(y1tab.reshape(2 * NP, HH), srco, dst3).reshape(2, NP, HH)

    S1, Q1 = _k5(agg1, dinv, b1.reshape(1, H))

    h1, y2tab = _k6(agg1, b1.reshape(1, H), S1, Q1, g1.reshape(1, H),
                    be1.reshape(1, H), h0, W2, dinv)

    agg2 = _sc_agg(y2tab.reshape(2 * NP, HH), srco, dst3).reshape(2, NP, HH)

    S2, Q2 = _k5(agg2, dinv, b2.reshape(1, H))

    xg_sum = _k8b(agg2, b2.reshape(1, H), dinv, S2, Q2, g2.reshape(1, H),
                  be2.reshape(1, H), h1, batch2d)[0]

    return _k9(xg_sum, xs_sum, cnt, Wf, bf.reshape(1, H), Wc1,
               bc1.reshape(1, H // 2), Wc2, bc2.reshape(1, 20))

# --- scband reference (transcript-rebuilt; emitter-appended) ---
"""Pipeline reference for scband-document-gcn-36653250904669 (READ-ONLY COPY).

The authoritative reference and input builder live on the scoring server;
editing this copy changes nothing except your own understanding.
"""

import jax, jax.numpy as jnp
import numpy as np

N = 10000
E = 160000
V = 256
H = 256
C = 20
B = 64

def _bn(x, g, b, eps=1e-5):
    m = jnp.mean(x, axis=0)
    v = jnp.var(x, axis=0)
    return (x - m) / jnp.sqrt(v + eps) * g + b

def _gcn_conv(x, edge_index, W, bias, num_nodes):
    x = x @ W
    src = edge_index[0]
    dst = edge_index[1]
    loop = jnp.arange(num_nodes, dtype=src.dtype)
    src = jnp.concatenate([src, loop])
    dst = jnp.concatenate([dst, loop])
    ones = jnp.ones(src.shape[0], dtype=x.dtype)
    deg = jnp.zeros((num_nodes,), dtype=x.dtype).at[dst].add(ones)
    dinv = jnp.where(deg > 0, 1.0 / jnp.sqrt(deg), 0.0)
    norm = dinv[src] * dinv[dst]
    msgs = jnp.take(x, src, axis=0) * norm[:, None]
    out = jnp.zeros_like(x).at[dst].add(msgs)
    return out + bias

def _gmp(x, batch, num_graphs):
    s = jax.ops.segment_sum(x, batch, num_segments=num_graphs)
    cnt = jax.ops.segment_sum(jnp.ones((x.shape[0],), x.dtype), batch, num_segments=num_graphs)
    return s / jnp.clip(cnt, 1.0, None)[:, None]

def _xavier(k, shape):
    limit = float(np.sqrt(6.0 / (shape[0] + shape[1])))
    return jax.random.uniform(k, shape, jnp.float32, -limit, limit)

def setup_inputs(seed: int = 0):
    key = jax.random.key(seed)
    ks = jax.random.split(key, 12)
    inp = {}
    inp['x'] = jax.random.uniform(ks[0], (N, V), jnp.float32)
    inp['edge_index'] = jax.random.randint(ks[1], (2, E), 0, N)
    inp['batch'] = jnp.sort(jax.random.randint(ks[2], (N,), 0, B))
    inp['W_in'] = _xavier(ks[3], (V, H)); inp['b_in'] = jnp.zeros((H,), jnp.float32)
    inp['g_in'] = jnp.ones((H,), jnp.float32); inp['be_in'] = jnp.zeros((H,), jnp.float32)
    inp['W1'] = _xavier(ks[4], (H, H)); inp['b1'] = jnp.zeros((H,), jnp.float32)
    inp['g1'] = jnp.ones((H,), jnp.float32); inp['be1'] = jnp.zeros((H,), jnp.float32)
    inp['W2'] = _xavier(ks[5], (H, H)); inp['b2'] = jnp.zeros((H,), jnp.float32)
    inp['g2'] = jnp.ones((H,), jnp.float32); inp['be2'] = jnp.zeros((H,), jnp.float32)
    inp['Wf'] = _xavier(ks[6], (2 * H, H)); inp['bf'] = jnp.zeros((H,), jnp.float32)
    inp['Wc1'] = _xavier(ks[7], (H, H // 2)); inp['bc1'] = jnp.zeros((H // 2,), jnp.float32)
    inp['Wc2'] = _xavier(ks[8], (H // 2, C)); inp['bc2'] = jnp.zeros((C,), jnp.float32)
    return inp

def reference(x, edge_index, batch, W_in, b_in, g_in, be_in, W1, b1, g1, be1, W2, b2, g2, be2, Wf, bf, Wc1, bc1, Wc2, bc2):
    h = x @ W_in + b_in
    h = _bn(h, g_in, be_in)
    input_features = h
    c1 = _gcn_conv(h, edge_index, W1, b1, N)
    c1 = jax.nn.gelu(_bn(c1, g1, be1), approximate=False)
    h = c1 + h
    c2 = _gcn_conv(h, edge_index, W2, b2, N)
    c2 = jax.nn.gelu(_bn(c2, g2, be2), approximate=False)
    h = c2 + h
    xg = _gmp(h, batch, B)
    xs = _gmp(input_features, batch, B)
    xc = jnp.concatenate([xg, xs], axis=-1)
    f = jax.nn.gelu(xc @ Wf + bf, approximate=False)
    logits = jax.nn.gelu(f @ Wc1 + bc1, approximate=False) @ Wc2 + bc2
    return jax.nn.log_softmax(logits, axis=1)

if __name__ == "__main__":
    import jax
    _d = setup_inputs()
    print(jax.jit(kernel)(*tuple(_d.values())))

</pallas_src>

<mosaic_0001>
#map = affine_map<(d0, d1) -> (0, 0, 0)>
#map1 = affine_map<(d0, d1) -> (0, 0)>
module attributes {stable_mosaic.version = 14 : i64} {
  func.func @_sc_deg_body(%arg0: i32, %arg1: i32, %arg2: memref<16x80x128xi32, #tpu.memory_space<hbm>>, %arg3: memref<128x128xf32, #tpu.memory_space<hbm>>, %arg4: memref<640x128xf32, #tpu.memory_space<hbm>>, %arg5: memref<20480x128xf32, #tpu.memory_space<hbm>>, %arg6: memref<80x128xi32, #tpu.memory_space<vmem>>, %arg7: memref<128x128xf32, #tpu.memory_space<vmem>>, %arg8: memref<!tpu.dma_semaphore, #tpu.memory_space<semaphore_mem>>, %arg9: memref<10240x128xf32, #tpu.memory_space<vmem_shared>>) attributes {dimension_semantics = [#tpu.dimension_semantics<core_parallel>, #tpu.dimension_semantics<subcore_parallel>], iteration_bounds = array<i64: 2, 16>, scalar_prefetch = 0 : i64, scratch_operands = 4 : i64, tpu.core_type = #tpu.core_type<sc_vector_subcore>, window_params = [{transform_indices = #map}, {transform_indices = #map1}, {transform_indices = #map1}, {transform_indices = #map1}]} {
    %mul3A = arith.constant 640 : i32
    %mul3A_0 = arith.muli %arg1, %mul3A : i32
    "tpu.region"() ({
      %run_scoped3A = tpu.sem_alloc : memref<!tpu.dma_semaphore, #tpu.memory_space<semaphore_mem>>
      %dma_start3A = arith.constant 0 : i32
      %dma_start3A_21 = tpu.memref_slice %arg9[%mul3A_0, %dma_start3A] : memref<10240x128xf32, #tpu.memory_space<vmem_shared>> -> memref<640x128xf32, #tpu.memory_space<vmem_shared>>
      tpu.enqueue_dma source(%arg4 : memref<640x128xf32, #tpu.memory_space<hbm>>) target(%dma_start3A_21 : memref<640x128xf32, #tpu.memory_space<vmem_shared>>) target_semaphore(%run_scoped3A : memref<!tpu.dma_semaphore, #tpu.memory_space<semaphore_mem>>)
      %dma_wait3A = arith.constant 0 : i32
      %dma_wait3A_22 = tpu.memref_slice %arg9[%mul3A_0, %dma_wait3A] : memref<10240x128xf32, #tpu.memory_space<vmem_shared>> -> memref<640x128xf32, #tpu.memory_space<vmem_shared>>
      tpu.wait_dma2 semaphore(%run_scoped3A : memref<!tpu.dma_semaphore, #tpu.memory_space<semaphore_mem>>) src(%arg4 : memref<640x128xf32, #tpu.memory_space<hbm>>) dst(%dma_wait3A_22 : memref<640x128xf32, #tpu.memory_space<vmem_shared>>)
      tpu.yield
    }) : () -> ()
    "tpu.region"() ({
      %run_scoped3A = tpu.sem_alloc : memref<!tpu.dma_semaphore, #tpu.memory_space<semaphore_mem>>
      tpu.enqueue_dma source(%arg3 : memref<128x128xf32, #tpu.memory_space<hbm>>) target(%arg7 : memref<128x128xf32, #tpu.memory_space<vmem>>) target_semaphore(%run_scoped3A : memref<!tpu.dma_semaphore, #tpu.memory_space<semaphore_mem>>)
      tpu.wait_dma2 semaphore(%run_scoped3A : memref<!tpu.dma_semaphore, #tpu.memory_space<semaphore_mem>>) src(%arg3 : memref<128x128xf32, #tpu.memory_space<hbm>>) dst(%arg7 : memref<128x128xf32, #tpu.memory_space<vmem>>)
      tpu.yield
    }) : () -> ()
    "tpu.region"() ({
      %run_scoped3A = tpu.sem_alloc : memref<!tpu.dma_semaphore, #tpu.memory_space<semaphore_mem>>
      %dma_start3A = arith.constant 0 : i32
      %dma_start3A_21 = arith.constant 0 : i32
      %dma_start3A_22 = tpu.memref_slice %arg2[%arg1, %dma_start3A, %dma_start3A_21] : memref<16x80x128xi32, #tpu.memory_space<hbm>> -> memref<1x80x128xi32, #tpu.memory_space<hbm>>
      %dma_start3A_23 = tpu.memref_squeeze %dma_start3A_22 : memref<1x80x128xi32, #tpu.memory_space<hbm>> -> memref<80x128xi32, #tpu.memory_space<hbm>>
      %dma_start3A_24 = arith.constant 0 : i32
      %dma_start3A_25 = arith.constant 0 : i32
      %dma_start3A_26 = tpu.memref_slice %arg2[%arg1, %dma_start3A_24, %dma_start3A_25] : memref<16x80x128xi32, #tpu.memory_space<hbm>> -> memref<1x80x128xi32, #tpu.memory_space<hbm>>
      %dma_start3A_27 = tpu.memref_squeeze %dma_start3A_26 : memref<1x80x128xi32, #tpu.memory_space<hbm>> -> memref<80x128xi32, #tpu.memory_space<hbm>>
      tpu.enqueue_dma source(%dma_start3A_27 : memref<80x128xi32, #tpu.memory_space<hbm>>) target(%arg6 : memref<80x128xi32, #tpu.memory_space<vmem>>) target_semaphore(%run_scoped3A : memref<!tpu.dma_semaphore, #tpu.memory_space<semaphore_mem>>)
      %dma_wait3A = arith.constant 0 : i32
      %dma_wait3A_28 = arith.constant 0 : i32
      %dma_wait3A_29 = tpu.memref_slice %arg2[%arg1, %dma_wait3A, %dma_wait3A_28] : memref<16x80x128xi32, #tpu.memory_space<hbm>> -> memref<1x80x128xi32, #tpu.memory_space<hbm>>
      %dma_wait3A_30 = tpu.memref_squeeze %dma_wait3A_29 : memref<1x80x128xi32, #tpu.memory_space<hbm>> -> memref<80x128xi32, #tpu.memory_space<hbm>>
      %dma_wait3A_31 = arith.constant 0 : i32
      %dma_wait3A_32 = arith.constant 0 : i32
      %dma_wait3A_33 = tpu.memref_slice %arg2[%arg1, %dma_wait3A_31, %dma_wait3A_32] : memref<16x80x128xi32, #tpu.memory_space<hbm>> -> memref<1x80x128xi32, #tpu.memory_space<hbm>>
      %dma_wait3A_34 = tpu.memref_squeeze %dma_wait3A_33 : memref<1x80x128xi32, #tpu.memory_space<hbm>> -> memref<80x128xi32, #tpu.memory_space<hbm>>
      tpu.wait_dma2 semaphore(%run_scoped3A : memref<!tpu.dma_semaphore, #tpu.memory_space<semaphore_mem>>) src(%dma_wait3A_34 : memref<80x128xi32, #tpu.memory_space<hbm>>) dst(%arg6 : memref<80x128xi32, #tpu.memory_space<vmem>>)
      tpu.yield
    }) : () -> ()
    %barrier3A = arith.constant 0 : index
    tpu.barrier barrier_id(%barrier3A)
    %mul3A_1 = arith.constant 40 : i32
    %mul3A_2 = arith.muli %arg0, %mul3A_1 : i32
    %scan3A = arith.constant 0 : i32
    %scan3A_3 = arith.constant 0 : i32
    %scan3A_4 = arith.constant 40 : i32
    %scan3A_5 = arith.addi %scan3A_3, %scan3A_4 : i32
    %scan3A_6 = arith.constant 1 : i32
    scf.for %scan3A_21 = %scan3A_3 to %scan3A_5 step %scan3A_6  : i32 {
      %add3A_22 = arith.addi %mul3A_2, %scan3A_21 : i32
      %dma_start3A = arith.constant 0 : i32
      %dma_start3A_23 = tpu.memref_slice %arg6[%add3A_22, %dma_start3A] : memref<80x128xi32, #tpu.memory_space<vmem>> -> memref<1x128xi32, #tpu.memory_space<vmem>>
      %dma_start3A_24 = tpu.memref_squeeze %dma_start3A_23 : memref<1x128xi32, #tpu.memory_space<vmem>> -> memref<128xi32, #tpu.memory_space<vmem>>
      %dma_start3A_25 = arith.constant 0 : i32
      %dma_start3A_26 = arith.constant 0 : i32
      %dma_start3A_27 = tpu.memref_slice %arg9[%dma_start3A_25, %dma_start3A_26] : memref<10240x128xf32, #tpu.memory_space<vmem_shared>> -> memref<10240x128xf32, #tpu.memory_space<vmem_shared>>
      tpu.enqueue_indirect_dma source(%arg7 : memref<128x128xf32, #tpu.memory_space<vmem>>) target(%dma_start3A_27 : memref<10240x128xf32, #tpu.memory_space<vmem_shared>>) offsets(%dma_start3A_24 : memref<128xi32, #tpu.memory_space<vmem>>) semaphore(%arg8 : memref<!tpu.dma_semaphore, #tpu.memory_space<semaphore_mem>>) {add = true}
    }
    %scan3A_7 = arith.constant 40 : i32
    %scan3A_8 = arith.constant 0 : i32
    %scan3A_9 = arith.constant 0 : i32
    %scan3A_10 = arith.constant 40 : i32
    %scan3A_11 = arith.addi %scan3A_9, %scan3A_10 : i32
    %scan3A_12 = arith.constant 1 : i32
    scf.for %scan3A_21 = %scan3A_9 to %scan3A_11 step %scan3A_12  : i32 {
      %dma_wait3A = arith.constant 0 : i32
      %dma_wait3A_22 = arith.constant 0 : i32
      %dma_wait3A_23 = tpu.memref_slice %arg6[%dma_wait3A, %dma_wait3A_22] : memref<80x128xi32, #tpu.memory_space<vmem>> -> memref<1x128xi32, #tpu.memory_space<vmem>>
      %dma_wait3A_24 = tpu.memref_squeeze %dma_wait3A_23 : memref<1x128xi32, #tpu.memory_space<vmem>> -> memref<128xi32, #tpu.memory_space<vmem>>
      %dma_wait3A_25 = arith.constant 0 : i32
      %dma_wait3A_26 = arith.constant 0 : i32
      %dma_wait3A_27 = tpu.memref_slice %arg9[%dma_wait3A_25, %dma_wait3A_26] : memref<10240x128xf32, #tpu.memory_space<vmem_shared>> -> memref<10240x128xf32, #tpu.memory_space<vmem_shared>>
      tpu.wait_indirect_dma semaphore(%arg8 : memref<!tpu.dma_semaphore, #tpu.memory_space<semaphore_mem>>) src(%arg7 : memref<128x128xf32, #tpu.memory_space<vmem>>) dst(%dma_wait3A_27 : memref<10240x128xf32, #tpu.memory_space<vmem_shared>>)
    }
    %scan3A_13 = arith.constant 40 : i32
    %barrier3A_14 = arith.constant 0 : index
    tpu.barrier barrier_id(%barrier3A_14)
    %mul3A_15 = arith.constant 640 : i32
    %mul3A_16 = arith.muli %arg1, %mul3A_15 : i32
    %mul3A_17 = arith.constant 10240 : i32
    %mul3A_18 = arith.muli %arg0, %mul3A_17 : i32
    %mul3A_19 = arith.constant 640 : i32
    %mul3A_20 = arith.muli %arg1, %mul3A_19 : i32
    %add3A = arith.addi %mul3A_18, %mul3A_20 : i32
    "tpu.region"() ({
      %run_scoped3A = tpu.sem_alloc : memref<!tpu.dma_semaphore, #tpu.memory_space<semaphore_mem>>
      %dma_start3A = arith.constant 0 : i32
      %dma_start3A_21 = tpu.memref_slice %arg5[%add3A, %dma_start3A] : memref<20480x128xf32, #tpu.memory_space<hbm>> -> memref<640x128xf32, #tpu.memory_space<hbm>>
      %dma_start3A_22 = arith.constant 0 : i32
      %dma_start3A_23 = tpu.memref_slice %arg9[%mul3A_16, %dma_start3A_22] : memref<10240x128xf32, #tpu.memory_space<vmem_shared>> -> memref<640x128xf32, #tpu.memory_space<vmem_shared>>
      tpu.enqueue_dma source(%dma_start3A_23 : memref<640x128xf32, #tpu.memory_space<vmem_shared>>) target(%dma_start3A_21 : memref<640x128xf32, #tpu.memory_space<hbm>>) target_semaphore(%run_scoped3A : memref<!tpu.dma_semaphore, #tpu.memory_space<semaphore_mem>>)
      %dma_wait3A = arith.constant 0 : i32
      %dma_wait3A_24 = tpu.memref_slice %arg5[%add3A, %dma_wait3A] : memref<20480x128xf32, #tpu.memory_space<hbm>> -> memref<640x128xf32, #tpu.memory_space<hbm>>
      %dma_wait3A_25 = arith.constant 0 : i32
      %dma_wait3A_26 = tpu.memref_slice %arg9[%mul3A_16, %dma_wait3A_25] : memref<10240x128xf32, #tpu.memory_space<vmem_shared>> -> memref<640x128xf32, #tpu.memory_space<vmem_shared>>
      tpu.wait_dma2 semaphore(%run_scoped3A : memref<!tpu.dma_semaphore, #tpu.memory_space<semaphore_mem>>) src(%dma_wait3A_26 : memref<640x128xf32, #tpu.memory_space<vmem_shared>>) dst(%dma_wait3A_24 : memref<640x128xf32, #tpu.memory_space<hbm>>)
      tpu.yield
    }) : () -> ()
    return
  }
}

#map = affine_map<(d0, d1) -> (0, 0)>
#map1 = affine_map<(d0, d1) -> (0, 0, 0)>
module attributes {stable_mosaic.version = 14 : i64} {
  func.func @_sc_agg_body(%arg0: i32, %arg1: i32, %arg2: memref<20480x128xf32, #tpu.memory_space<hbm>>, %arg3: memref<2560x128xi32, #tpu.memory_space<hbm>>, %arg4: memref<16x80x128xi32, #tpu.memory_space<hbm>>, %arg5: memref<20480x128xf32, #tpu.memory_space<hbm>>, %arg6: memref<80x128xi32, #tpu.memory_space<vmem>>, %arg7: memref<128xi32, #tpu.memory_space<vmem>>, %arg8: memref<128xi32, #tpu.memory_space<vmem>>, %arg9: memref<128x128xf32, #tpu.memory_space<vmem>>, %arg10: memref<128x128xf32, #tpu.memory_space<vmem>>, %arg11: memref<!tpu.dma_semaphore, #tpu.memory_space<semaphore_mem>>, %arg12: memref<!tpu.dma_semaphore, #tpu.memory_space<semaphore_mem>>, %arg13: memref<!tpu.dma_semaphore, #tpu.memory_space<semaphore_mem>>, %arg14: memref<!tpu.dma_semaphore, #tpu.memory_space<semaphore_mem>>, %arg15: memref<10240x128xf32, #tpu.memory_space<vmem_shared>>) attributes {dimension_semantics = [#tpu.dimension_semantics<core_parallel>, #tpu.dimension_semantics<subcore_parallel>], iteration_bounds = array<i64: 2, 16>, scalar_prefetch = 0 : i64, scratch_operands = 10 : i64, tpu.core_type = #tpu.core_type<sc_vector_subcore>, window_params = [{transform_indices = #map}, {transform_indices = #map}, {transform_indices = #map1}, {transform_indices = #map}]} {
    %mul3A = arith.constant 16 : i32
    %mul3A_0 = arith.muli %arg0, %mul3A : i32
    %add3A = arith.addi %mul3A_0, %arg1 : i32
    %mul3A_1 = arith.constant 10240 : i32
    %mul3A_2 = arith.muli %arg0, %mul3A_1 : i32
    %mul3A_3 = arith.constant 640 : i32
    %mul3A_4 = arith.muli %arg1, %mul3A_3 : i32
    %add3A_5 = arith.addi %mul3A_2, %mul3A_4 : i32
    %mul3A_6 = arith.constant 640 : i32
    %mul3A_7 = arith.muli %arg1, %mul3A_6 : i32
    "tpu.region"() ({
      %run_scoped3A = tpu.sem_alloc : memref<!tpu.dma_semaphore, #tpu.memory_space<semaphore_mem>>
      %dma_start3A = arith.constant 0 : i32
      %dma_start3A_34 = tpu.memref_slice %arg15[%mul3A_7, %dma_start3A] : memref<10240x128xf32, #tpu.memory_space<vmem_shared>> -> memref<640x128xf32, #tpu.memory_space<vmem_shared>>
      %dma_start3A_35 = arith.constant 0 : i32
      %dma_start3A_36 = tpu.memref_slice %arg2[%add3A_5, %dma_start3A_35] : memref<20480x128xf32, #tpu.memory_space<hbm>> -> memref<640x128xf32, #tpu.memory_space<hbm>>
      tpu.enqueue_dma source(%dma_start3A_36 : memref<640x128xf32, #tpu.memory_space<hbm>>) target(%dma_start3A_34 : memref<640x128xf32, #tpu.memory_space<vmem_shared>>) target_semaphore(%run_scoped3A : memref<!tpu.dma_semaphore, #tpu.memory_space<semaphore_mem>>)
      %dma_wait3A_37 = arith.constant 0 : i32
      %dma_wait3A_38 = tpu.memref_slice %arg15[%mul3A_7, %dma_wait3A_37] : memref<10240x128xf32, #tpu.memory_space<vmem_shared>> -> memref<640x128xf32, #tpu.memory_space<vmem_shared>>
      %dma_wait3A_39 = arith.constant 0 : i32
      %dma_wait3A_40 = tpu.memref_slice %arg2[%add3A_5, %dma_wait3A_39] : memref<20480x128xf32, #tpu.memory_space<hbm>> -> memref<640x128xf32, #tpu.memory_space<hbm>>
      tpu.wait_dma2 semaphore(%run_scoped3A : memref<!tpu.dma_semaphore, #tpu.memory_space<semaphore_mem>>) src(%dma_wait3A_40 : memref<640x128xf32, #tpu.memory_space<hbm>>) dst(%dma_wait3A_38 : memref<640x128xf32, #tpu.memory_space<vmem_shared>>)
      tpu.yield
    }) : () -> ()
    "tpu.region"() ({
      %run_scoped3A = tpu.sem_alloc : memref<!tpu.dma_semaphore, #tpu.memory_space<semaphore_mem>>
      %dma_start3A = arith.constant 0 : i32
      %dma_start3A_34 = arith.constant 0 : i32
      %dma_start3A_35 = tpu.memref_slice %arg4[%arg1, %dma_start3A, %dma_start3A_34] : memref<16x80x128xi32, #tpu.memory_space<hbm>> -> memref<1x80x128xi32, #tpu.memory_space<hbm>>
      %dma_start3A_36 = tpu.memref_squeeze %dma_start3A_35 : memref<1x80x128xi32, #tpu.memory_space<hbm>> -> memref<80x128xi32, #tpu.memory_space<hbm>>
      %dma_start3A_37 = arith.constant 0 : i32
      %dma_start3A_38 = arith.constant 0 : i32
      %dma_start3A_39 = tpu.memref_slice %arg4[%arg1, %dma_start3A_37, %dma_start3A_38] : memref<16x80x128xi32, #tpu.memory_space<hbm>> -> memref<1x80x128xi32, #tpu.memory_space<hbm>>
      %dma_start3A_40 = tpu.memref_squeeze %dma_start3A_39 : memref<1x80x128xi32, #tpu.memory_space<hbm>> -> memref<80x128xi32, #tpu.memory_space<hbm>>
      tpu.enqueue_dma source(%dma_start3A_40 : memref<80x128xi32, #tpu.memory_space<hbm>>) target(%arg6 : memref<80x128xi32, #tpu.memory_space<vmem>>) target_semaphore(%run_scoped3A : memref<!tpu.dma_semaphore, #tpu.memory_space<semaphore_mem>>)
      %dma_wait3A_41 = arith.constant 0 : i32
      %dma_wait3A_42 = arith.constant 0 : i32
      %dma_wait3A_43 = tpu.memref_slice %arg4[%arg1, %dma_wait3A_41, %dma_wait3A_42] : memref<16x80x128xi32, #tpu.memory_space<hbm>> -> memref<1x80x128xi32, #tpu.memory_space<hbm>>
      %dma_wait3A_44 = tpu.memref_squeeze %dma_wait3A_43 : memref<1x80x128xi32, #tpu.memory_space<hbm>> -> memref<80x128xi32, #tpu.memory_space<hbm>>
      %dma_wait3A_45 = arith.constant 0 : i32
      %dma_wait3A_46 = arith.constant 0 : i32
      %dma_wait3A_47 = tpu.memref_slice %arg4[%arg1, %dma_wait3A_45, %dma_wait3A_46] : memref<16x80x128xi32, #tpu.memory_space<hbm>> -> memref<1x80x128xi32, #tpu.memory_space<hbm>>
      %dma_wait3A_48 = tpu.memref_squeeze %dma_wait3A_47 : memref<1x80x128xi32, #tpu.memory_space<hbm>> -> memref<80x128xi32, #tpu.memory_space<hbm>>
      tpu.wait_dma2 semaphore(%run_scoped3A : memref<!tpu.dma_semaphore, #tpu.memory_space<semaphore_mem>>) src(%dma_wait3A_48 : memref<80x128xi32, #tpu.memory_space<hbm>>) dst(%arg6 : memref<80x128xi32, #tpu.memory_space<vmem>>)
      tpu.yield
    }) : () -> ()
    %barrier3A = arith.constant 0 : index
    tpu.barrier barrier_id(%barrier3A)
    %scan3A = arith.constant 0 : i32
    %scan3A_8 = arith.constant 0 : i32
    %scan3A_9 = arith.constant 40 : i32
    %scan3A_10 = arith.addi %scan3A_8, %scan3A_9 : i32
    %scan3A_11 = arith.constant 1 : i32
    scf.for %scan3A_34 = %scan3A_8 to %scan3A_10 step %scan3A_11  : i32 {
      %mul3A_35 = arith.constant 2 : i32
      %mul3A_36 = arith.muli %mul3A_35, %scan3A_34 : i32
      %add3A_37 = arith.constant 1 : i32
      %add3A_38 = arith.addi %mul3A_36, %add3A_37 : i32
      %mul3A_39 = arith.constant 80 : i32
      %mul3A_40 = arith.muli %add3A, %mul3A_39 : i32
      %add3A_41 = arith.addi %mul3A_40, %mul3A_36 : i32
      "tpu.region"() ({
        %run_scoped3A = tpu.sem_alloc : memref<!tpu.dma_semaphore, #tpu.memory_space<semaphore_mem>>
        %dma_start3A_75 = arith.constant 0 : i32
        %dma_start3A_76 = tpu.memref_slice %arg3[%add3A_41, %dma_start3A_75] : memref<2560x128xi32, #tpu.memory_space<hbm>> -> memref<1x128xi32, #tpu.memory_space<hbm>>
        %dma_start3A_77 = tpu.memref_squeeze %dma_start3A_76 : memref<1x128xi32, #tpu.memory_space<hbm>> -> memref<128xi32, #tpu.memory_space<hbm>>
        %dma_start3A_78 = arith.constant 0 : i32
        %dma_start3A_79 = tpu.memref_slice %arg3[%add3A_41, %dma_start3A_78] : memref<2560x128xi32, #tpu.memory_space<hbm>> -> memref<1x128xi32, #tpu.memory_space<hbm>>
        %dma_start3A_80 = tpu.memref_squeeze %dma_start3A_79 : memref<1x128xi32, #tpu.memory_space<hbm>> -> memref<128xi32, #tpu.memory_space<hbm>>
        tpu.enqueue_dma source(%dma_start3A_80 : memref<128xi32, #tpu.memory_space<hbm>>) target(%arg7 : memref<128xi32, #tpu.memory_space<vmem>>) target_semaphore(%run_scoped3A : memref<!tpu.dma_semaphore, #tpu.memory_space<semaphore_mem>>)
        %dma_wait3A_81 = arith.constant 0 : i32
        %dma_wait3A_82 = tpu.memref_slice %arg3[%add3A_41, %dma_wait3A_81] : memref<2560x128xi32, #tpu.memory_space<hbm>> -> memref<1x128xi32, #tpu.memory_space<hbm>>
        %dma_wait3A_83 = tpu.memref_squeeze %dma_wait3A_82 : memref<1x128xi32, #tpu.memory_space<hbm>> -> memref<128xi32, #tpu.memory_space<hbm>>
        %dma_wait3A_84 = arith.constant 0 : i32
        %dma_wait3A_85 = tpu.memref_slice %arg3[%add3A_41, %dma_wait3A_84] : memref<2560x128xi32, #tpu.memory_space<hbm>> -> memref<1x128xi32, #tpu.memory_space<hbm>>
        %dma_wait3A_86 = tpu.memref_squeeze %dma_wait3A_85 : memref<1x128xi32, #tpu.memory_space<hbm>> -> memref<128xi32, #tpu.memory_space<hbm>>
        tpu.wait_dma2 semaphore(%run_scoped3A : memref<!tpu.dma_semaphore, #tpu.memory_space<semaphore_mem>>) src(%dma_wait3A_86 : memref<128xi32, #tpu.memory_space<hbm>>) dst(%arg7 : memref<128xi32, #tpu.memory_space<vmem>>)
        tpu.yield
      }) : () -> ()
      %gt3A = arith.constant 0 : i32
      %gt3A_42 = arith.cmpi sgt, %scan3A_34, %gt3A : i32
      %convert_element_type3A = arith.extui %gt3A_42 : i1 to i32
      %cond3A = arith.constant 0 : i32
      %cond3A_43 = arith.cmpi ne, %convert_element_type3A, %cond3A : i32
      scf.if %cond3A_43 {
        %dma_wait3A_75 = arith.constant 0 : i32
        %dma_wait3A_76 = tpu.memref_slice %arg6[%mul3A_36, %dma_wait3A_75] : memref<80x128xi32, #tpu.memory_space<vmem>> -> memref<1x128xi32, #tpu.memory_space<vmem>>
        %dma_wait3A_77 = tpu.memref_squeeze %dma_wait3A_76 : memref<1x128xi32, #tpu.memory_space<vmem>> -> memref<128xi32, #tpu.memory_space<vmem>>
        %dma_wait3A_78 = arith.constant 0 : i32
        %dma_wait3A_79 = arith.constant 0 : i32
        %dma_wait3A_80 = tpu.memref_slice %arg15[%dma_wait3A_78, %dma_wait3A_79] : memref<10240x128xf32, #tpu.memory_space<vmem_shared>> -> memref<10240x128xf32, #tpu.memory_space<vmem_shared>>
        tpu.wait_indirect_dma semaphore(%arg13 : memref<!tpu.dma_semaphore, #tpu.memory_space<semaphore_mem>>) src(%arg9 : memref<128x128xf32, #tpu.memory_space<vmem>>) dst(%dma_wait3A_80 : memref<10240x128xf32, #tpu.memory_space<vmem_shared>>)
      } else {
      }
      %dma_start3A = arith.constant 0 : i32
      %dma_start3A_44 = arith.constant 0 : i32
      %dma_start3A_45 = tpu.memref_slice %arg2[%dma_start3A, %dma_start3A_44] : memref<20480x128xf32, #tpu.memory_space<hbm>> -> memref<20480x128xf32, #tpu.memory_space<hbm>>
      tpu.enqueue_indirect_dma source(%dma_start3A_45 : memref<20480x128xf32, #tpu.memory_space<hbm>>) target(%arg9 : memref<128x128xf32, #tpu.memory_space<vmem>>) offsets(%arg7 : memref<128xi32, #tpu.memory_space<vmem>>) semaphore(%arg11 : memref<!tpu.dma_semaphore, #tpu.memory_space<semaphore_mem>>)
      %mul3A_46 = arith.constant 80 : i32
      %mul3A_47 = arith.muli %add3A, %mul3A_46 : i32
      %add3A_48 = arith.addi %mul3A_47, %add3A_38 : i32
      "tpu.region"() ({
        %run_scoped3A = tpu.sem_alloc : memref<!tpu.dma_semaphore, #tpu.memory_space<semaphore_mem>>
        %dma_start3A_75 = arith.constant 0 : i32
        %dma_start3A_76 = tpu.memref_slice %arg3[%add3A_48, %dma_start3A_75] : memref<2560x128xi32, #tpu.memory_space<hbm>> -> memref<1x128xi32, #tpu.memory_space<hbm>>
        %dma_start3A_77 = tpu.memref_squeeze %dma_start3A_76 : memref<1x128xi32, #tpu.memory_space<hbm>> -> memref<128xi32, #tpu.memory_space<hbm>>
        %dma_start3A_78 = arith.constant 0 : i32
        %dma_start3A_79 = tpu.memref_slice %arg3[%add3A_48, %dma_start3A_78] : memref<2560x128xi32, #tpu.memory_space<hbm>> -> memref<1x128xi32, #tpu.memory_space<hbm>>
        %dma_start3A_80 = tpu.memref_squeeze %dma_start3A_79 : memref<1x128xi32, #tpu.memory_space<hbm>> -> memref<128xi32, #tpu.memory_space<hbm>>
        tpu.enqueue_dma source(%dma_start3A_80 : memref<128xi32, #tpu.memory_space<hbm>>) target(%arg8 : memref<128xi32, #tpu.memory_space<vmem>>) target_semaphore(%run_scoped3A : memref<!tpu.dma_semaphore, #tpu.memory_space<semaphore_mem>>)
        %dma_wait3A_81 = arith.constant 0 : i32
        %dma_wait3A_82 = tpu.memref_slice %arg3[%add3A_48, %dma_wait3A_81] : memref<2560x128xi32, #tpu.memory_space<hbm>> -> memref<1x128xi32, #tpu.memory_space<hbm>>
        %dma_wait3A_83 = tpu.memref_squeeze %dma_wait3A_82 : memref<1x128xi32, #tpu.memory_space<hbm>> -> memref<128xi32, #tpu.memory_space<hbm>>
        %dma_wait3A_84 = arith.constant 0 : i32
        %dma_wait3A_85 = tpu.memref_slice %arg3[%add3A_48, %dma_wait3A_84] : memref<2560x128xi32, #tpu.memory_space<hbm>> -> memref<1x128xi32, #tpu.memory_space<hbm>>
        %dma_wait3A_86 = tpu.memref_squeeze %dma_wait3A_85 : memref<1x128xi32, #tpu.memory_space<hbm>> -> memref<128xi32, #tpu.memory_space<hbm>>
        tpu.wait_dma2 semaphore(%run_scoped3A : memref<!tpu.dma_semaphore, #tpu.memory_space<semaphore_mem>>) src(%dma_wait3A_86 : memref<128xi32, #tpu.memory_space<hbm>>) dst(%arg8 : memref<128xi32, #tpu.memory_space<vmem>>)
        tpu.yield
      }) : () -> ()
      %gt3A_49 = arith.constant 0 : i32
      %gt3A_50 = arith.cmpi sgt, %scan3A_34, %gt3A_49 : i32
      %convert_element_type3A_51 = arith.extui %gt3A_50 : i1 to i32
      %cond3A_52 = arith.constant 0 : i32
      %cond3A_53 = arith.cmpi ne, %convert_element_type3A_51, %cond3A_52 : i32
      scf.if %cond3A_53 {
        %dma_wait3A_75 = arith.constant 0 : i32
        %dma_wait3A_76 = tpu.memref_slice %arg6[%add3A_38, %dma_wait3A_75] : memref<80x128xi32, #tpu.memory_space<vmem>> -> memref<1x128xi32, #tpu.memory_space<vmem>>
        %dma_wait3A_77 = tpu.memref_squeeze %dma_wait3A_76 : memref<1x128xi32, #tpu.memory_space<vmem>> -> memref<128xi32, #tpu.memory_space<vmem>>
        %dma_wait3A_78 = arith.constant 0 : i32
        %dma_wait3A_79 = arith.constant 0 : i32
        %dma_wait3A_80 = tpu.memref_slice %arg15[%dma_wait3A_78, %dma_wait3A_79] : memref<10240x128xf32, #tpu.memory_space<vmem_shared>> -> memref<10240x128xf32, #tpu.memory_space<vmem_shared>>
        tpu.wait_indirect_dma semaphore(%arg14 : memref<!tpu.dma_semaphore, #tpu.memory_space<semaphore_mem>>) src(%arg10 : memref<128x128xf32, #tpu.memory_space<vmem>>) dst(%dma_wait3A_80 : memref<10240x128xf32, #tpu.memory_space<vmem_shared>>)
      } else {
      }
      %dma_start3A_54 = arith.constant 0 : i32
      %dma_start3A_55 = arith.constant 0 : i32
      %dma_start3A_56 = tpu.memref_slice %arg2[%dma_start3A_54, %dma_start3A_55] : memref<20480x128xf32, #tpu.memory_space<hbm>> -> memref<20480x128xf32, #tpu.memory_space<hbm>>
      tpu.enqueue_indirect_dma source(%dma_start3A_56 : memref<20480x128xf32, #tpu.memory_space<hbm>>) target(%arg10 : memref<128x128xf32, #tpu.memory_space<vmem>>) offsets(%arg8 : memref<128xi32, #tpu.memory_space<vmem>>) semaphore(%arg12 : memref<!tpu.dma_semaphore, #tpu.memory_space<semaphore_mem>>)
      %dma_wait3A_57 = arith.constant 0 : i32
      %dma_wait3A_58 = arith.constant 0 : i32
      %dma_wait3A_59 = tpu.memref_slice %arg2[%dma_wait3A_57, %dma_wait3A_58] : memref<20480x128xf32, #tpu.memory_space<hbm>> -> memref<20480x128xf32, #tpu.memory_space<hbm>>
      tpu.wait_indirect_dma semaphore(%arg11 : memref<!tpu.dma_semaphore, #tpu.memory_space<semaphore_mem>>) src(%dma_wait3A_59 : memref<20480x128xf32, #tpu.memory_space<hbm>>) dst(%arg9 : memref<128x128xf32, #tpu.memory_space<vmem>>)
      %dma_start3A_60 = arith.constant 0 : i32
      %dma_start3A_61 = tpu.memref_slice %arg6[%mul3A_36, %dma_start3A_60] : memref<80x128xi32, #tpu.memory_space<vmem>> -> memref<1x128xi32, #tpu.memory_space<vmem>>
      %dma_start3A_62 = tpu.memref_squeeze %dma_start3A_61 : memref<1x128xi32, #tpu.memory_space<vmem>> -> memref<128xi32, #tpu.memory_space<vmem>>
      %dma_start3A_63 = arith.constant 0 : i32
      %dma_start3A_64 = arith.constant 0 : i32
      %dma_start3A_65 = tpu.memref_slice %arg15[%dma_start3A_63, %dma_start3A_64] : memref<10240x128xf32, #tpu.memory_space<vmem_shared>> -> memref<10240x128xf32, #tpu.memory_space<vmem_shared>>
      tpu.enqueue_indirect_dma source(%arg9 : memref<128x128xf32, #tpu.memory_space<vmem>>) target(%dma_start3A_65 : memref<10240x128xf32, #tpu.memory_space<vmem_shared>>) offsets(%dma_start3A_62 : memref<128xi32, #tpu.memory_space<vmem>>) semaphore(%arg13 : memref<!tpu.dma_semaphore, #tpu.memory_space<semaphore_mem>>) {add = true}
      %dma_wait3A_66 = arith.constant 0 : i32
      %dma_wait3A_67 = arith.constant 0 : i32
      %dma_wait3A_68 = tpu.memref_slice %arg2[%dma_wait3A_66, %dma_wait3A_67] : memref<20480x128xf32, #tpu.memory_space<hbm>> -> memref<20480x128xf32, #tpu.memory_space<hbm>>
      tpu.wait_indirect_dma semaphore(%arg12 : memref<!tpu.dma_semaphore, #tpu.memory_space<semaphore_mem>>) src(%dma_wait3A_68 : memref<20480x128xf32, #tpu.memory_space<hbm>>) dst(%arg10 : memref<128x128xf32, #tpu.memory_space<vmem>>)
      %dma_start3A_69 = arith.constant 0 : i32
      %dma_start3A_70 = tpu.memref_slice %arg6[%add3A_38, %dma_start3A_69] : memref<80x128xi32, #tpu.memory_space<vmem>> -> memref<1x128xi32, #tpu.memory_space<vmem>>
      %dma_start3A_71 = tpu.memref_squeeze %dma_start3A_70 : memref<1x128xi32, #tpu.memory_space<vmem>> -> memref<128xi32, #tpu.memory_space<vmem>>
      %dma_start3A_72 = arith.constant 0 : i32
      %dma_start3A_73 = arith.constant 0 : i32
      %dma_start3A_74 = tpu.memref_slice %arg15[%dma_start3A_72, %dma_start3A_73] : memref<10240x128xf32, #tpu.memory_space<vmem_shared>> -> memref<10240x128xf32, #tpu.memory_space<vmem_shared>>
      tpu.enqueue_indirect_dma source(%arg10 : memref<128x128xf32, #tpu.memory_space<vmem>>) target(%dma_start3A_74 : memref<10240x128xf32, #tpu.memory_space<vmem_shared>>) offsets(%dma_start3A_71 : memref<128xi32, #tpu.memory_space<vmem>>) semaphore(%arg14 : memref<!tpu.dma_semaphore, #tpu.memory_space<semaphore_mem>>) {add = true}
    }
    %scan3A_12 = arith.constant 40 : i32
    %dma_wait3A = arith.constant 0 : i32
    %dma_wait3A_13 = arith.constant 0 : i32
    %dma_wait3A_14 = tpu.memref_slice %arg6[%dma_wait3A, %dma_wait3A_13] : memref<80x128xi32, #tpu.memory_space<vmem>> -> memref<1x128xi32, #tpu.memory_space<vmem>>
    %dma_wait3A_15 = tpu.memref_squeeze %dma_wait3A_14 : memref<1x128xi32, #tpu.memory_space<vmem>> -> memref<128xi32, #tpu.memory_space<vmem>>
    %dma_wait3A_16 = arith.constant 0 : i32
    %dma_wait3A_17 = arith.constant 0 : i32
    %dma_wait3A_18 = tpu.memref_slice %arg15[%dma_wait3A_16, %dma_wait3A_17] : memref<10240x128xf32, #tpu.memory_space<vmem_shared>> -> memref<10240x128xf32, #tpu.memory_space<vmem_shared>>
    tpu.wait_indirect_dma semaphore(%arg13 : memref<!tpu.dma_semaphore, #tpu.memory_space<semaphore_mem>>) src(%arg9 : memref<128x128xf32, #tpu.memory_space<vmem>>) dst(%dma_wait3A_18 : memref<10240x128xf32, #tpu.memory_space<vmem_shared>>)
    %dma_wait3A_19 = arith.constant 0 : i32
    %dma_wait3A_20 = arith.constant 0 : i32
    %dma_wait3A_21 = tpu.memref_slice %arg6[%dma_wait3A_19, %dma_wait3A_20] : memref<80x128xi32, #tpu.memory_space<vmem>> -> memref<1x128xi32, #tpu.memory_space<vmem>>
    %dma_wait3A_22 = tpu.memref_squeeze %dma_wait3A_21 : memref<1x128xi32, #tpu.memory_space<vmem>> -> memref<128xi32, #tpu.memory_space<vmem>>
    %dma_wait3A_23 = arith.constant 0 : i32
    %dma_wait3A_24 = arith.constant 0 : i32
    %dma_wait3A_25 = tpu.memref_slice %arg15[%dma_wait3A_23, %dma_wait3A_24] : memref<10240x128xf32, #tpu.memory_space<vmem_shared>> -> memref<10240x128xf32, #tpu.memory_space<vmem_shared>>
    tpu.wait_indirect_dma semaphore(%arg14 : memref<!tpu.dma_semaphore, #tpu.memory_space<semaphore_mem>>) src(%arg10 : memref<128x128xf32, #tpu.memory_space<vmem>>) dst(%dma_wait3A_25 : memref<10240x128xf32, #tpu.memory_space<vmem_shared>>)
    %barrier3A_26 = arith.constant 0 : index
    tpu.barrier barrier_id(%barrier3A_26)
    %mul3A_27 = arith.constant 640 : i32
    %mul3A_28 = arith.muli %arg1, %mul3A_27 : i32
    %mul3A_29 = arith.constant 10240 : i32
    %mul3A_30 = arith.muli %arg0, %mul3A_29 : i32
    %mul3A_31 = arith.constant 640 : i32
    %mul3A_32 = arith.muli %arg1, %mul3A_31 : i32
    %add3A_33 = arith.addi %mul3A_30, %mul3A_32 : i32
    "tpu.region"() ({
      %run_scoped3A = tpu.sem_alloc : memref<!tpu.dma_semaphore, #tpu.memory_space<semaphore_mem>>
      %dma_start3A = arith.constant 0 : i32
      %dma_start3A_34 = tpu.memref_slice %arg5[%add3A_33, %dma_start3A] : memref<20480x128xf32, #tpu.memory_space<hbm>> -> memref<640x128xf32, #tpu.memory_space<hbm>>
      %dma_start3A_35 = arith.constant 0 : i32
      %dma_start3A_36 = tpu.memref_slice %arg15[%mul3A_28, %dma_start3A_35] : memref<10240x128xf32, #tpu.memory_space<vmem_shared>> -> memref<640x128xf32, #tpu.memory_space<vmem_shared>>
      tpu.enqueue_dma source(%dma_start3A_36 : memref<640x128xf32, #tpu.memory_space<vmem_shared>>) target(%dma_start3A_34 : memref<640x128xf32, #tpu.memory_space<hbm>>) target_semaphore(%run_scoped3A : memref<!tpu.dma_semaphore, #tpu.memory_space<semaphore_mem>>)
      %dma_wait3A_37 = arith.constant 0 : i32
      %dma_wait3A_38 = tpu.memref_slice %arg5[%add3A_33, %dma_wait3A_37] : memref<20480x128xf32, #tpu.memory_space<hbm>> -> memref<640x128xf32, #tpu.memory_space<hbm>>
      %dma_wait3A_39 = arith.constant 0 : i32
      %dma_wait3A_40 = tpu.memref_slice %arg15[%mul3A_28, %dma_wait3A_39] : memref<10240x128xf32, #tpu.memory_space<vmem_shared>> -> memref<640x128xf32, #tpu.memory_space<vmem_shared>>
      tpu.wait_dma2 semaphore(%run_scoped3A : memref<!tpu.dma_semaphore, #tpu.memory_space<semaphore_mem>>) src(%dma_wait3A_40 : memref<640x128xf32, #tpu.memory_space<vmem_shared>>) dst(%dma_wait3A_38 : memref<640x128xf32, #tpu.memory_space<hbm>>)
      tpu.yield
    }) : () -> ()
    return
  }
}

#map = affine_map<(d0, d1) -> (0, 0)>
#map1 = affine_map<(d0, d1) -> (0, 0, 0)>
module attributes {stable_mosaic.version = 14 : i64} {
  func.func @_sc_agg_body(%arg0: i32, %arg1: i32, %arg2: memref<20480x128xf32, #tpu.memory_space<hbm>>, %arg3: memref<2560x128xi32, #tpu.memory_space<hbm>>, %arg4: memref<16x80x128xi32, #tpu.memory_space<hbm>>, %arg5: memref<20480x128xf32, #tpu.memory_space<hbm>>, %arg6: memref<80x128xi32, #tpu.memory_space<vmem>>, %arg7: memref<128xi32, #tpu.memory_space<vmem>>, %arg8: memref<128xi32, #tpu.memory_space<vmem>>, %arg9: memref<128x128xf32, #tpu.memory_space<vmem>>, %arg10: memref<128x128xf32, #tpu.memory_space<vmem>>, %arg11: memref<!tpu.dma_semaphore, #tpu.memory_space<semaphore_mem>>, %arg12: memref<!tpu.dma_semaphore, #tpu.memory_space<semaphore_mem>>, %arg13: memref<!tpu.dma_semaphore, #tpu.memory_space<semaphore_mem>>, %arg14: memref<!tpu.dma_semaphore, #tpu.memory_space<semaphore_mem>>, %arg15: memref<10240x128xf32, #tpu.memory_space<vmem_shared>>) attributes {dimension_semantics = [#tpu.dimension_semantics<core_parallel>, #tpu.dimension_semantics<subcore_parallel>], iteration_bounds = array<i64: 2, 16>, scalar_prefetch = 0 : i64, scratch_operands = 10 : i64, tpu.core_type = #tpu.core_type<sc_vector_subcore>, window_params = [{transform_indices = #map}, {transform_indices = #map}, {transform_indices = #map1}, {transform_indices = #map}]} {
    %mul3A = arith.constant 16 : i32
    %mul3A_0 = arith.muli %arg0, %mul3A : i32
    %add3A = arith.addi %mul3A_0, %arg1 : i32
    %mul3A_1 = arith.constant 10240 : i32
    %mul3A_2 = arith.muli %arg0, %mul3A_1 : i32
    %mul3A_3 = arith.constant 640 : i32
    %mul3A_4 = arith.muli %arg1, %mul3A_3 : i32
    %add3A_5 = arith.addi %mul3A_2, %mul3A_4 : i32
    %mul3A_6 = arith.constant 640 : i32
    %mul3A_7 = arith.muli %arg1, %mul3A_6 : i32
    "tpu.region"() ({
      %run_scoped3A = tpu.sem_alloc : memref<!tpu.dma_semaphore, #tpu.memory_space<semaphore_mem>>
      %dma_start3A = arith.constant 0 : i32
      %dma_start3A_34 = tpu.memref_slice %arg15[%mul3A_7, %dma_start3A] : memref<10240x128xf32, #tpu.memory_space<vmem_shared>> -> memref<640x128xf32, #tpu.memory_space<vmem_shared>>
      %dma_start3A_35 = arith.constant 0 : i32
      %dma_start3A_36 = tpu.memref_slice %arg2[%add3A_5, %dma_start3A_35] : memref<20480x128xf32, #tpu.memory_space<hbm>> -> memref<640x128xf32, #tpu.memory_space<hbm>>
      tpu.enqueue_dma source(%dma_start3A_36 : memref<640x128xf32, #tpu.memory_space<hbm>>) target(%dma_start3A_34 : memref<640x128xf32, #tpu.memory_space<vmem_shared>>) target_semaphore(%run_scoped3A : memref<!tpu.dma_semaphore, #tpu.memory_space<semaphore_mem>>)
      %dma_wait3A_37 = arith.constant 0 : i32
      %dma_wait3A_38 = tpu.memref_slice %arg15[%mul3A_7, %dma_wait3A_37] : memref<10240x128xf32, #tpu.memory_space<vmem_shared>> -> memref<640x128xf32, #tpu.memory_space<vmem_shared>>
      %dma_wait3A_39 = arith.constant 0 : i32
      %dma_wait3A_40 = tpu.memref_slice %arg2[%add3A_5, %dma_wait3A_39] : memref<20480x128xf32, #tpu.memory_space<hbm>> -> memref<640x128xf32, #tpu.memory_space<hbm>>
      tpu.wait_dma2 semaphore(%run_scoped3A : memref<!tpu.dma_semaphore, #tpu.memory_space<semaphore_mem>>) src(%dma_wait3A_40 : memref<640x128xf32, #tpu.memory_space<hbm>>) dst(%dma_wait3A_38 : memref<640x128xf32, #tpu.memory_space<vmem_shared>>)
      tpu.yield
    }) : () -> ()
    "tpu.region"() ({
      %run_scoped3A = tpu.sem_alloc : memref<!tpu.dma_semaphore, #tpu.memory_space<semaphore_mem>>
      %dma_start3A = arith.constant 0 : i32
      %dma_start3A_34 = arith.constant 0 : i32
      %dma_start3A_35 = tpu.memref_slice %arg4[%arg1, %dma_start3A, %dma_start3A_34] : memref<16x80x128xi32, #tpu.memory_space<hbm>> -> memref<1x80x128xi32, #tpu.memory_space<hbm>>
      %dma_start3A_36 = tpu.memref_squeeze %dma_start3A_35 : memref<1x80x128xi32, #tpu.memory_space<hbm>> -> memref<80x128xi32, #tpu.memory_space<hbm>>
      %dma_start3A_37 = arith.constant 0 : i32
      %dma_start3A_38 = arith.constant 0 : i32
      %dma_start3A_39 = tpu.memref_slice %arg4[%arg1, %dma_start3A_37, %dma_start3A_38] : memref<16x80x128xi32, #tpu.memory_space<hbm>> -> memref<1x80x128xi32, #tpu.memory_space<hbm>>
      %dma_start3A_40 = tpu.memref_squeeze %dma_start3A_39 : memref<1x80x128xi32, #tpu.memory_space<hbm>> -> memref<80x128xi32, #tpu.memory_space<hbm>>
      tpu.enqueue_dma source(%dma_start3A_40 : memref<80x128xi32, #tpu.memory_space<hbm>>) target(%arg6 : memref<80x128xi32, #tpu.memory_space<vmem>>) target_semaphore(%run_scoped3A : memref<!tpu.dma_semaphore, #tpu.memory_space<semaphore_mem>>)
      %dma_wait3A_41 = arith.constant 0 : i32
      %dma_wait3A_42 = arith.constant 0 : i32
      %dma_wait3A_43 = tpu.memref_slice %arg4[%arg1, %dma_wait3A_41, %dma_wait3A_42] : memref<16x80x128xi32, #tpu.memory_space<hbm>> -> memref<1x80x128xi32, #tpu.memory_space<hbm>>
      %dma_wait3A_44 = tpu.memref_squeeze %dma_wait3A_43 : memref<1x80x128xi32, #tpu.memory_space<hbm>> -> memref<80x128xi32, #tpu.memory_space<hbm>>
      %dma_wait3A_45 = arith.constant 0 : i32
      %dma_wait3A_46 = arith.constant 0 : i32
      %dma_wait3A_47 = tpu.memref_slice %arg4[%arg1, %dma_wait3A_45, %dma_wait3A_46] : memref<16x80x128xi32, #tpu.memory_space<hbm>> -> memref<1x80x128xi32, #tpu.memory_space<hbm>>
      %dma_wait3A_48 = tpu.memref_squeeze %dma_wait3A_47 : memref<1x80x128xi32, #tpu.memory_space<hbm>> -> memref<80x128xi32, #tpu.memory_space<hbm>>
      tpu.wait_dma2 semaphore(%run_scoped3A : memref<!tpu.dma_semaphore, #tpu.memory_space<semaphore_mem>>) src(%dma_wait3A_48 : memref<80x128xi32, #tpu.memory_space<hbm>>) dst(%arg6 : memref<80x128xi32, #tpu.memory_space<vmem>>)
      tpu.yield
    }) : () -> ()
    %barrier3A = arith.constant 0 : index
    tpu.barrier barrier_id(%barrier3A)
    %scan3A = arith.constant 0 : i32
    %scan3A_8 = arith.constant 0 : i32
    %scan3A_9 = arith.constant 40 : i32
    %scan3A_10 = arith.addi %scan3A_8, %scan3A_9 : i32
    %scan3A_11 = arith.constant 1 : i32
    scf.for %scan3A_34 = %scan3A_8 to %scan3A_10 step %scan3A_11  : i32 {
      %mul3A_35 = arith.constant 2 : i32
      %mul3A_36 = arith.muli %mul3A_35, %scan3A_34 : i32
      %add3A_37 = arith.constant 1 : i32
      %add3A_38 = arith.addi %mul3A_36, %add3A_37 : i32
      %mul3A_39 = arith.constant 80 : i32
      %mul3A_40 = arith.muli %add3A, %mul3A_39 : i32
      %add3A_41 = arith.addi %mul3A_40, %mul3A_36 : i32
      "tpu.region"() ({
        %run_scoped3A = tpu.sem_alloc : memref<!tpu.dma_semaphore, #tpu.memory_space<semaphore_mem>>
        %dma_start3A_75 = arith.constant 0 : i32
        %dma_start3A_76 = tpu.memref_slice %arg3[%add3A_41, %dma_start3A_75] : memref<2560x128xi32, #tpu.memory_space<hbm>> -> memref<1x128xi32, #tpu.memory_space<hbm>>
        %dma_start3A_77 = tpu.memref_squeeze %dma_start3A_76 : memref<1x128xi32, #tpu.memory_space<hbm>> -> memref<128xi32, #tpu.memory_space<hbm>>
        %dma_start3A_78 = arith.constant 0 : i32
        %dma_start3A_79 = tpu.memref_slice %arg3[%add3A_41, %dma_start3A_78] : memref<2560x128xi32, #tpu.memory_space<hbm>> -> memref<1x128xi32, #tpu.memory_space<hbm>>
        %dma_start3A_80 = tpu.memref_squeeze %dma_start3A_79 : memref<1x128xi32, #tpu.memory_space<hbm>> -> memref<128xi32, #tpu.memory_space<hbm>>
        tpu.enqueue_dma source(%dma_start3A_80 : memref<128xi32, #tpu.memory_space<hbm>>) target(%arg7 : memref<128xi32, #tpu.memory_space<vmem>>) target_semaphore(%run_scoped3A : memref<!tpu.dma_semaphore, #tpu.memory_space<semaphore_mem>>)
        %dma_wait3A_81 = arith.constant 0 : i32
        %dma_wait3A_82 = tpu.memref_slice %arg3[%add3A_41, %dma_wait3A_81] : memref<2560x128xi32, #tpu.memory_space<hbm>> -> memref<1x128xi32, #tpu.memory_space<hbm>>
        %dma_wait3A_83 = tpu.memref_squeeze %dma_wait3A_82 : memref<1x128xi32, #tpu.memory_space<hbm>> -> memref<128xi32, #tpu.memory_space<hbm>>
        %dma_wait3A_84 = arith.constant 0 : i32
        %dma_wait3A_85 = tpu.memref_slice %arg3[%add3A_41, %dma_wait3A_84] : memref<2560x128xi32, #tpu.memory_space<hbm>> -> memref<1x128xi32, #tpu.memory_space<hbm>>
        %dma_wait3A_86 = tpu.memref_squeeze %dma_wait3A_85 : memref<1x128xi32, #tpu.memory_space<hbm>> -> memref<128xi32, #tpu.memory_space<hbm>>
        tpu.wait_dma2 semaphore(%run_scoped3A : memref<!tpu.dma_semaphore, #tpu.memory_space<semaphore_mem>>) src(%dma_wait3A_86 : memref<128xi32, #tpu.memory_space<hbm>>) dst(%arg7 : memref<128xi32, #tpu.memory_space<vmem>>)
        tpu.yield
      }) : () -> ()
      %gt3A = arith.constant 0 : i32
      %gt3A_42 = arith.cmpi sgt, %scan3A_34, %gt3A : i32
      %convert_element_type3A = arith.extui %gt3A_42 : i1 to i32
      %cond3A = arith.constant 0 : i32
      %cond3A_43 = arith.cmpi ne, %convert_element_type3A, %cond3A : i32
      scf.if %cond3A_43 {
        %dma_wait3A_75 = arith.constant 0 : i32
        %dma_wait3A_76 = tpu.memref_slice %arg6[%mul3A_36, %dma_wait3A_75] : memref<80x128xi32, #tpu.memory_space<vmem>> -> memref<1x128xi32, #tpu.memory_space<vmem>>
        %dma_wait3A_77 = tpu.memref_squeeze %dma_wait3A_76 : memref<1x128xi32, #tpu.memory_space<vmem>> -> memref<128xi32, #tpu.memory_space<vmem>>
        %dma_wait3A_78 = arith.constant 0 : i32
        %dma_wait3A_79 = arith.constant 0 : i32
        %dma_wait3A_80 = tpu.memref_slice %arg15[%dma_wait3A_78, %dma_wait3A_79] : memref<10240x128xf32, #tpu.memory_space<vmem_shared>> -> memref<10240x128xf32, #tpu.memory_space<vmem_shared>>
        tpu.wait_indirect_dma semaphore(%arg13 : memref<!tpu.dma_semaphore, #tpu.memory_space<semaphore_mem>>) src(%arg9 : memref<128x128xf32, #tpu.memory_space<vmem>>) dst(%dma_wait3A_80 : memref<10240x128xf32, #tpu.memory_space<vmem_shared>>)
      } else {
      }
      %dma_start3A = arith.constant 0 : i32
      %dma_start3A_44 = arith.constant 0 : i32
      %dma_start3A_45 = tpu.memref_slice %arg2[%dma_start3A, %dma_start3A_44] : memref<20480x128xf32, #tpu.memory_space<hbm>> -> memref<20480x128xf32, #tpu.memory_space<hbm>>
      tpu.enqueue_indirect_dma source(%dma_start3A_45 : memref<20480x128xf32, #tpu.memory_space<hbm>>) target(%arg9 : memref<128x128xf32, #tpu.memory_space<vmem>>) offsets(%arg7 : memref<128xi32, #tpu.memory_space<vmem>>) semaphore(%arg11 : memref<!tpu.dma_semaphore, #tpu.memory_space<semaphore_mem>>)
      %mul3A_46 = arith.constant 80 : i32
      %mul3A_47 = arith.muli %add3A, %mul3A_46 : i32
      %add3A_48 = arith.addi %mul3A_47, %add3A_38 : i32
      "tpu.region"() ({
        %run_scoped3A = tpu.sem_alloc : memref<!tpu.dma_semaphore, #tpu.memory_space<semaphore_mem>>
        %dma_start3A_75 = arith.constant 0 : i32
        %dma_start3A_76 = tpu.memref_slice %arg3[%add3A_48, %dma_start3A_75] : memref<2560x128xi32, #tpu.memory_space<hbm>> -> memref<1x128xi32, #tpu.memory_space<hbm>>
        %dma_start3A_77 = tpu.memref_squeeze %dma_start3A_76 : memref<1x128xi32, #tpu.memory_space<hbm>> -> memref<128xi32, #tpu.memory_space<hbm>>
        %dma_start3A_78 = arith.constant 0 : i32
        %dma_start3A_79 = tpu.memref_slice %arg3[%add3A_48, %dma_start3A_78] : memref<2560x128xi32, #tpu.memory_space<hbm>> -> memref<1x128xi32, #tpu.memory_space<hbm>>
        %dma_start3A_80 = tpu.memref_squeeze %dma_start3A_79 : memref<1x128xi32, #tpu.memory_space<hbm>> -> memref<128xi32, #tpu.memory_space<hbm>>
        tpu.enqueue_dma source(%dma_start3A_80 : memref<128xi32, #tpu.memory_space<hbm>>) target(%arg8 : memref<128xi32, #tpu.memory_space<vmem>>) target_semaphore(%run_scoped3A : memref<!tpu.dma_semaphore, #tpu.memory_space<semaphore_mem>>)
        %dma_wait3A_81 = arith.constant 0 : i32
        %dma_wait3A_82 = tpu.memref_slice %arg3[%add3A_48, %dma_wait3A_81] : memref<2560x128xi32, #tpu.memory_space<hbm>> -> memref<1x128xi32, #tpu.memory_space<hbm>>
        %dma_wait3A_83 = tpu.memref_squeeze %dma_wait3A_82 : memref<1x128xi32, #tpu.memory_space<hbm>> -> memref<128xi32, #tpu.memory_space<hbm>>
        %dma_wait3A_84 = arith.constant 0 : i32
        %dma_wait3A_85 = tpu.memref_slice %arg3[%add3A_48, %dma_wait3A_84] : memref<2560x128xi32, #tpu.memory_space<hbm>> -> memref<1x128xi32, #tpu.memory_space<hbm>>
        %dma_wait3A_86 = tpu.memref_squeeze %dma_wait3A_85 : memref<1x128xi32, #tpu.memory_space<hbm>> -> memref<128xi32, #tpu.memory_space<hbm>>
        tpu.wait_dma2 semaphore(%run_scoped3A : memref<!tpu.dma_semaphore, #tpu.memory_space<semaphore_mem>>) src(%dma_wait3A_86 : memref<128xi32, #tpu.memory_space<hbm>>) dst(%arg8 : memref<128xi32, #tpu.memory_space<vmem>>)
        tpu.yield
      }) : () -> ()
      %gt3A_49 = arith.constant 0 : i32
      %gt3A_50 = arith.cmpi sgt, %scan3A_34, %gt3A_49 : i32
      %convert_element_type3A_51 = arith.extui %gt3A_50 : i1 to i32
      %cond3A_52 = arith.constant 0 : i32
      %cond3A_53 = arith.cmpi ne, %convert_element_type3A_51, %cond3A_52 : i32
      scf.if %cond3A_53 {
        %dma_wait3A_75 = arith.constant 0 : i32
        %dma_wait3A_76 = tpu.memref_slice %arg6[%add3A_38, %dma_wait3A_75] : memref<80x128xi32, #tpu.memory_space<vmem>> -> memref<1x128xi32, #tpu.memory_space<vmem>>
        %dma_wait3A_77 = tpu.memref_squeeze %dma_wait3A_76 : memref<1x128xi32, #tpu.memory_space<vmem>> -> memref<128xi32, #tpu.memory_space<vmem>>
        %dma_wait3A_78 = arith.constant 0 : i32
        %dma_wait3A_79 = arith.constant 0 : i32
        %dma_wait3A_80 = tpu.memref_slice %arg15[%dma_wait3A_78, %dma_wait3A_79] : memref<10240x128xf32, #tpu.memory_space<vmem_shared>> -> memref<10240x128xf32, #tpu.memory_space<vmem_shared>>
        tpu.wait_indirect_dma semaphore(%arg14 : memref<!tpu.dma_semaphore, #tpu.memory_space<semaphore_mem>>) src(%arg10 : memref<128x128xf32, #tpu.memory_space<vmem>>) dst(%dma_wait3A_80 : memref<10240x128xf32, #tpu.memory_space<vmem_shared>>)
      } else {
      }
      %dma_start3A_54 = arith.constant 0 : i32
      %dma_start3A_55 = arith.constant 0 : i32
      %dma_start3A_56 = tpu.memref_slice %arg2[%dma_start3A_54, %dma_start3A_55] : memref<20480x128xf32, #tpu.memory_space<hbm>> -> memref<20480x128xf32, #tpu.memory_space<hbm>>
      tpu.enqueue_indirect_dma source(%dma_start3A_56 : memref<20480x128xf32, #tpu.memory_space<hbm>>) target(%arg10 : memref<128x128xf32, #tpu.memory_space<vmem>>) offsets(%arg8 : memref<128xi32, #tpu.memory_space<vmem>>) semaphore(%arg12 : memref<!tpu.dma_semaphore, #tpu.memory_space<semaphore_mem>>)
      %dma_wait3A_57 = arith.constant 0 : i32
      %dma_wait3A_58 = arith.constant 0 : i32
      %dma_wait3A_59 = tpu.memref_slice %arg2[%dma_wait3A_57, %dma_wait3A_58] : memref<20480x128xf32, #tpu.memory_space<hbm>> -> memref<20480x128xf32, #tpu.memory_space<hbm>>
      tpu.wait_indirect_dma semaphore(%arg11 : memref<!tpu.dma_semaphore, #tpu.memory_space<semaphore_mem>>) src(%dma_wait3A_59 : memref<20480x128xf32, #tpu.memory_space<hbm>>) dst(%arg9 : memref<128x128xf32, #tpu.memory_space<vmem>>)
      %dma_start3A_60 = arith.constant 0 : i32
      %dma_start3A_61 = tpu.memref_slice %arg6[%mul3A_36, %dma_start3A_60] : memref<80x128xi32, #tpu.memory_space<vmem>> -> memref<1x128xi32, #tpu.memory_space<vmem>>
      %dma_start3A_62 = tpu.memref_squeeze %dma_start3A_61 : memref<1x128xi32, #tpu.memory_space<vmem>> -> memref<128xi32, #tpu.memory_space<vmem>>
      %dma_start3A_63 = arith.constant 0 : i32
      %dma_start3A_64 = arith.constant 0 : i32
      %dma_start3A_65 = tpu.memref_slice %arg15[%dma_start3A_63, %dma_start3A_64] : memref<10240x128xf32, #tpu.memory_space<vmem_shared>> -> memref<10240x128xf32, #tpu.memory_space<vmem_shared>>
      tpu.enqueue_indirect_dma source(%arg9 : memref<128x128xf32, #tpu.memory_space<vmem>>) target(%dma_start3A_65 : memref<10240x128xf32, #tpu.memory_space<vmem_shared>>) offsets(%dma_start3A_62 : memref<128xi32, #tpu.memory_space<vmem>>) semaphore(%arg13 : memref<!tpu.dma_semaphore, #tpu.memory_space<semaphore_mem>>) {add = true}
      %dma_wait3A_66 = arith.constant 0 : i32
      %dma_wait3A_67 = arith.constant 0 : i32
      %dma_wait3A_68 = tpu.memref_slice %arg2[%dma_wait3A_66, %dma_wait3A_67] : memref<20480x128xf32, #tpu.memory_space<hbm>> -> memref<20480x128xf32, #tpu.memory_space<hbm>>
      tpu.wait_indirect_dma semaphore(%arg12 : memref<!tpu.dma_semaphore, #tpu.memory_space<semaphore_mem>>) src(%dma_wait3A_68 : memref<20480x128xf32, #tpu.memory_space<hbm>>) dst(%arg10 : memref<128x128xf32, #tpu.memory_space<vmem>>)
      %dma_start3A_69 = arith.constant 0 : i32
      %dma_start3A_70 = tpu.memref_slice %arg6[%add3A_38, %dma_start3A_69] : memref<80x128xi32, #tpu.memory_space<vmem>> -> memref<1x128xi32, #tpu.memory_space<vmem>>
      %dma_start3A_71 = tpu.memref_squeeze %dma_start3A_70 : memref<1x128xi32, #tpu.memory_space<vmem>> -> memref<128xi32, #tpu.memory_space<vmem>>
      %dma_start3A_72 = arith.constant 0 : i32
      %dma_start3A_73 = arith.constant 0 : i32
      %dma_start3A_74 = tpu.memref_slice %arg15[%dma_start3A_72, %dma_start3A_73] : memref<10240x128xf32, #tpu.memory_space<vmem_shared>> -> memref<10240x128xf32, #tpu.memory_space<vmem_shared>>
      tpu.enqueue_indirect_dma source(%arg10 : memref<128x128xf32, #tpu.memory_space<vmem>>) target(%dma_start3A_74 : memref<10240x128xf32, #tpu.memory_space<vmem_shared>>) offsets(%dma_start3A_71 : memref<128xi32, #tpu.memory_space<vmem>>) semaphore(%arg14 : memref<!tpu.dma_semaphore, #tpu.memory_space<semaphore_mem>>) {add = true}
    }
    %scan3A_12 = arith.constant 40 : i32
    %dma_wait3A = arith.constant 0 : i32
    %dma_wait3A_13 = arith.constant 0 : i32
    %dma_wait3A_14 = tpu.memref_slice %arg6[%dma_wait3A, %dma_wait3A_13] : memref<80x128xi32, #tpu.memory_space<vmem>> -> memref<1x128xi32, #tpu.memory_space<vmem>>
    %dma_wait3A_15 = tpu.memref_squeeze %dma_wait3A_14 : memref<1x128xi32, #tpu.memory_space<vmem>> -> memref<128xi32, #tpu.memory_space<vmem>>
    %dma_wait3A_16 = arith.constant 0 : i32
    %dma_wait3A_17 = arith.constant 0 : i32
    %dma_wait3A_18 = tpu.memref_slice %arg15[%dma_wait3A_16, %dma_wait3A_17] : memref<10240x128xf32, #tpu.memory_space<vmem_shared>> -> memref<10240x128xf32, #tpu.memory_space<vmem_shared>>
    tpu.wait_indirect_dma semaphore(%arg13 : memref<!tpu.dma_semaphore, #tpu.memory_space<semaphore_mem>>) src(%arg9 : memref<128x128xf32, #tpu.memory_space<vmem>>) dst(%dma_wait3A_18 : memref<10240x128xf32, #tpu.memory_space<vmem_shared>>)
    %dma_wait3A_19 = arith.constant 0 : i32
    %dma_wait3A_20 = arith.constant 0 : i32
    %dma_wait3A_21 = tpu.memref_slice %arg6[%dma_wait3A_19, %dma_wait3A_20] : memref<80x128xi32, #tpu.memory_space<vmem>> -> memref<1x128xi32, #tpu.memory_space<vmem>>
    %dma_wait3A_22 = tpu.memref_squeeze %dma_wait3A_21 : memref<1x128xi32, #tpu.memory_space<vmem>> -> memref<128xi32, #tpu.memory_space<vmem>>
    %dma_wait3A_23 = arith.constant 0 : i32
    %dma_wait3A_24 = arith.constant 0 : i32
    %dma_wait3A_25 = tpu.memref_slice %arg15[%dma_wait3A_23, %dma_wait3A_24] : memref<10240x128xf32, #tpu.memory_space<vmem_shared>> -> memref<10240x128xf32, #tpu.memory_space<vmem_shared>>
    tpu.wait_indirect_dma semaphore(%arg14 : memref<!tpu.dma_semaphore, #tpu.memory_space<semaphore_mem>>) src(%arg10 : memref<128x128xf32, #tpu.memory_space<vmem>>) dst(%dma_wait3A_25 : memref<10240x128xf32, #tpu.memory_space<vmem_shared>>)
    %barrier3A_26 = arith.constant 0 : index
    tpu.barrier barrier_id(%barrier3A_26)
    %mul3A_27 = arith.constant 640 : i32
    %mul3A_28 = arith.muli %arg1, %mul3A_27 : i32
    %mul3A_29 = arith.constant 10240 : i32
    %mul3A_30 = arith.muli %arg0, %mul3A_29 : i32
    %mul3A_31 = arith.constant 640 : i32
    %mul3A_32 = arith.muli %arg1, %mul3A_31 : i32
    %add3A_33 = arith.addi %mul3A_30, %mul3A_32 : i32
    "tpu.region"() ({
      %run_scoped3A = tpu.sem_alloc : memref<!tpu.dma_semaphore, #tpu.memory_space<semaphore_mem>>
      %dma_start3A = arith.constant 0 : i32
      %dma_start3A_34 = tpu.memref_slice %arg5[%add3A_33, %dma_start3A] : memref<20480x128xf32, #tpu.memory_space<hbm>> -> memref<640x128xf32, #tpu.memory_space<hbm>>
      %dma_start3A_35 = arith.constant 0 : i32
      %dma_start3A_36 = tpu.memref_slice %arg15[%mul3A_28, %dma_start3A_35] : memref<10240x128xf32, #tpu.memory_space<vmem_shared>> -> memref<640x128xf32, #tpu.memory_space<vmem_shared>>
      tpu.enqueue_dma source(%dma_start3A_36 : memref<640x128xf32, #tpu.memory_space<vmem_shared>>) target(%dma_start3A_34 : memref<640x128xf32, #tpu.memory_space<hbm>>) target_semaphore(%run_scoped3A : memref<!tpu.dma_semaphore, #tpu.memory_space<semaphore_mem>>)
      %dma_wait3A_37 = arith.constant 0 : i32
      %dma_wait3A_38 = tpu.memref_slice %arg5[%add3A_33, %dma_wait3A_37] : memref<20480x128xf32, #tpu.memory_space<hbm>> -> memref<640x128xf32, #tpu.memory_space<hbm>>
      %dma_wait3A_39 = arith.constant 0 : i32
      %dma_wait3A_40 = tpu.memref_slice %arg15[%mul3A_28, %dma_wait3A_39] : memref<10240x128xf32, #tpu.memory_space<vmem_shared>> -> memref<640x128xf32, #tpu.memory_space<vmem_shared>>
      tpu.wait_dma2 semaphore(%run_scoped3A : memref<!tpu.dma_semaphore, #tpu.memory_space<semaphore_mem>>) src(%dma_wait3A_40 : memref<640x128xf32, #tpu.memory_space<vmem_shared>>) dst(%dma_wait3A_38 : memref<640x128xf32, #tpu.memory_space<hbm>>)
      tpu.yield
    }) : () -> ()
    return
  }
}

module attributes {stable_mosaic.version = 14 : i64} {
  func.func @_k1_body(%arg0: i32, %arg1: memref<400x256xf32, #tpu.memory_space<vmem>>, %arg2: memref<256x256xf32, #tpu.memory_space<vmem>>, %arg3: memref<1x256xf32, #tpu.memory_space<vmem>>, %arg4: memref<400x256xf32, #tpu.memory_space<vmem>>, %arg5: memref<1x256xf32, #tpu.memory_space<vmem>>, %arg6: memref<1x256xf32, #tpu.memory_space<vmem>>, %arg7: memref<1x256xf32, #tpu.memory_space<vmem>>, %arg8: memref<1x256xf32, #tpu.memory_space<vmem>>) attributes {dimension_semantics = [#tpu.dimension_semantics<arbitrary>], iteration_bounds = array<i64: 25>, scalar_prefetch = 0 : i64, scratch_operands = 2 : i64, tpu.core_type = #tpu.core_type<tc>, window_params = [{transform_indices = @transform_0, window_bounds = array<i64: 400, 256>}, {pipeline_mode = #tpu.pipeline_mode<synchronous>, transform_indices = @transform_1, window_bounds = array<i64: 256, 256>}, {pipeline_mode = #tpu.pipeline_mode<synchronous>, transform_indices = @transform_2, window_bounds = array<i64: 1, 256>}, {transform_indices = @transform_3, window_bounds = array<i64: 400, 256>}, {pipeline_mode = #tpu.pipeline_mode<synchronous>, transform_indices = @transform_4, window_bounds = array<i64: 1, 256>}, {pipeline_mode = #tpu.pipeline_mode<synchronous>, transform_indices = @transform_5, window_bounds = array<i64: 1, 256>}]} {
    %get3A = arith.constant 0 : index
    %get3A_0 = arith.constant 0 : index
    %get3A_1 = vector.load %arg1[%get3A, %get3A_0] : memref<400x256xf32, #tpu.memory_space<vmem>>, vector<400x256xf32>
    %get3A_2 = arith.constant 0 : index
    %get3A_3 = arith.constant 0 : index
    %get3A_4 = vector.load %arg2[%get3A_2, %get3A_3] : memref<256x256xf32, #tpu.memory_space<vmem>>, vector<256x256xf32>
    %dot_general3A = arith.constant dense<0.000000e+00> : vector<400x256xf32>
    %dot_general3A_5 = tpu.matmul %get3A_1, %get3A_4, %dot_general3A {dimension_numbers = #tpu.dot_dimension_numbers<[1], [0], [0], [1], [0, 0, 1, 1], [], []>, transpose_lhs_hint = false} : vector<400x256xf32>, vector<256x256xf32>, vector<400x256xf32> -> vector<400x256xf32>
    %get3A_6 = arith.constant 0 : index
    %get3A_7 = arith.constant 0 : index
    %get3A_8 = vector.load %arg3[%get3A_6, %get3A_7] : memref<1x256xf32, #tpu.memory_space<vmem>>, vector<1x256xf32>
    %add3A = vector.broadcast %get3A_8 : vector<1x256xf32> to vector<400x256xf32>
    %add3A_9 = arith.addf %dot_general3A_5, %add3A : vector<400x256xf32>
    %swap3A = arith.constant 0 : index
    %swap3A_10 = arith.constant 0 : index
    %swap3A_11 = vector.load %arg4[%swap3A, %swap3A_10] : memref<400x256xf32, #tpu.memory_space<vmem>>, vector<400x256xf32>
    tpu.vector_store %arg4[%swap3A, %swap3A_10], %add3A_9 {strides = array<i32>} : memref<400x256xf32, #tpu.memory_space<vmem>>, vector<400x256xf32>,
    %reduce_sum3A = arith.constant dense<0.000000e+00> : vector<256xf32>
    %reduce_sum3A_12 = vector.multi_reduction <add>, %add3A_9, %reduce_sum3A [0] : vector<400x256xf32> to vector<256xf32>
    %broadcast_in_dim3A = vector.shape_cast %reduce_sum3A_12 : vector<256xf32> to vector<1x256xf32>
    %mul3A = arith.mulf %add3A_9, %add3A_9 : vector<400x256xf32>
    %reduce_sum3A_13 = arith.constant dense<0.000000e+00> : vector<256xf32>
    %reduce_sum3A_14 = vector.multi_reduction <add>, %mul3A, %reduce_sum3A_13 [0] : vector<400x256xf32> to vector<256xf32>
    %broadcast_in_dim3A_15 = vector.shape_cast %reduce_sum3A_14 : vector<256xf32> to vector<1x256xf32>
    %eq3A = arith.constant 0 : i32
    %eq3A_16 = arith.cmpi eq, %arg0, %eq3A : i32
    %convert_element_type3A = arith.extui %eq3A_16 : i1 to i32
    %cond3A = arith.constant 0 : i32
    %cond3A_17 = arith.cmpi ne, %convert_element_type3A, %cond3A : i32
    scf.if %cond3A_17 {
      %swap3A_27 = arith.constant 0 : index
      %swap3A_28 = arith.constant 0 : index
      %swap3A_29 = vector.load %arg7[%swap3A_27, %swap3A_28] : memref<1x256xf32, #tpu.memory_space<vmem>>, vector<1x256xf32>
      tpu.vector_store %arg7[%swap3A_27, %swap3A_28], %broadcast_in_dim3A {strides = array<i32>} : memref<1x256xf32, #tpu.memory_space<vmem>>, vector<1x256xf32>,
      %swap3A_30 = arith.constant 0 : index
      %swap3A_31 = arith.constant 0 : index
      %swap3A_32 = vector.load %arg8[%swap3A_30, %swap3A_31] : memref<1x256xf32, #tpu.memory_space<vmem>>, vector<1x256xf32>
      tpu.vector_store %arg8[%swap3A_30, %swap3A_31], %broadcast_in_dim3A_15 {strides = array<i32>} : memref<1x256xf32, #tpu.memory_space<vmem>>, vector<1x256xf32>,
    } else {
    }
    %gt3A = arith.constant 0 : i32
    %gt3A_18 = arith.cmpi sgt, %arg0, %gt3A : i32
    %convert_element_type3A_19 = arith.extui %gt3A_18 : i1 to i32
    %cond3A_20 = arith.constant 0 : i32
    %cond3A_21 = arith.cmpi ne, %convert_element_type3A_19, %cond3A_20 : i32
    scf.if %cond3A_21 {
      %get3A_27 = arith.constant 0 : index
      %get3A_28 = arith.constant 0 : index
      %get3A_29 = vector.load %arg7[%get3A_27, %get3A_28] : memref<1x256xf32, #tpu.memory_space<vmem>>, vector<1x256xf32>
      %add3A_30 = arith.addf %get3A_29, %broadcast_in_dim3A : vector<1x256xf32>
      %swap3A_31 = arith.constant 0 : index
      %swap3A_32 = arith.constant 0 : index
      %swap3A_33 = vector.load %arg7[%swap3A_31, %swap3A_32] : memref<1x256xf32, #tpu.memory_space<vmem>>, vector<1x256xf32>
      tpu.vector_store %arg7[%swap3A_31, %swap3A_32], %add3A_30 {strides = array<i32>} : memref<1x256xf32, #tpu.memory_space<vmem>>, vector<1x256xf32>,
      %get3A_34 = arith.constant 0 : index
      %get3A_35 = arith.constant 0 : index
      %get3A_36 = vector.load %arg8[%get3A_34, %get3A_35] : memref<1x256xf32, #tpu.memory_space<vmem>>, vector<1x256xf32>
      %add3A_37 = arith.addf %get3A_36, %broadcast_in_dim3A_15 : vector<1x256xf32>
      %swap3A_38 = arith.constant 0 : index
      %swap3A_39 = arith.constant 0 : index
      %swap3A_40 = vector.load %arg8[%swap3A_38, %swap3A_39] : memref<1x256xf32, #tpu.memory_space<vmem>>, vector<1x256xf32>
      tpu.vector_store %arg8[%swap3A_38, %swap3A_39], %add3A_37 {strides = array<i32>} : memref<1x256xf32, #tpu.memory_space<vmem>>, vector<1x256xf32>,
    } else {
    }
    %eq3A_22 = arith.constant 24 : i32
    %eq3A_23 = arith.cmpi eq, %arg0, %eq3A_22 : i32
    %convert_element_type3A_24 = arith.extui %eq3A_23 : i1 to i32
    %cond3A_25 = arith.constant 0 : i32
    %cond3A_26 = arith.cmpi ne, %convert_element_type3A_24, %cond3A_25 : i32
    scf.if %cond3A_26 {
      %get3A_27 = arith.constant 0 : index
      %get3A_28 = arith.constant 0 : index
      %get3A_29 = vector.load %arg7[%get3A_27, %get3A_28] : memref<1x256xf32, #tpu.memory_space<vmem>>, vector<1x256xf32>
      %swap3A_30 = arith.constant 0 : index
      %swap3A_31 = arith.constant 0 : index
      %swap3A_32 = vector.load %arg5[%swap3A_30, %swap3A_31] : memref<1x256xf32, #tpu.memory_space<vmem>>, vector<1x256xf32>
      tpu.vector_store %arg5[%swap3A_30, %swap3A_31], %get3A_29 {strides = array<i32>} : memref<1x256xf32, #tpu.memory_space<vmem>>, vector<1x256xf32>,
      %get3A_33 = arith.constant 0 : index
      %get3A_34 = arith.constant 0 : index
      %get3A_35 = vector.load %arg8[%get3A_33, %get3A_34] : memref<1x256xf32, #tpu.memory_space<vmem>>, vector<1x256xf32>
      %swap3A_36 = arith.constant 0 : index
      %swap3A_37 = arith.constant 0 : index
      %swap3A_38 = vector.load %arg6[%swap3A_36, %swap3A_37] : memref<1x256xf32, #tpu.memory_space<vmem>>, vector<1x256xf32>
      tpu.vector_store %arg6[%swap3A_36, %swap3A_37], %get3A_35 {strides = array<i32>} : memref<1x256xf32, #tpu.memory_space<vmem>>, vector<1x256xf32>,
    } else {
    }
    return
  }
  func.func @transform_0(%arg0: i32) -> (i32, i32) {
    %c0_i32 = arith.constant 0 : i32
    %c0_i32_0 = arith.constant 0 : i32
    return %arg0, %c0_i32 : i32, i32
  }
  func.func @transform_1(%arg0: i32) -> (i32, i32) {
    %c0_i32 = arith.constant 0 : i32
    %c0_i32_0 = arith.constant 0 : i32
    %c0_i32_1 = arith.constant 0 : i32
    return %c0_i32, %c0_i32_0 : i32, i32
  }
  func.func @transform_2(%arg0: i32) -> (i32, i32) {
    %c0_i32 = arith.constant 0 : i32
    %c0_i32_0 = arith.constant 0 : i32
    %c0_i32_1 = arith.constant 0 : i32
    return %c0_i32, %c0_i32_0 : i32, i32
  }
  func.func @transform_3(%arg0: i32) -> (i32, i32) {
    %c0_i32 = arith.constant 0 : i32
    %c0_i32_0 = arith.constant 0 : i32
    return %arg0, %c0_i32 : i32, i32
  }
  func.func @transform_4(%arg0: i32) -> (i32, i32) {
    %c0_i32 = arith.constant 0 : i32
    %c0_i32_0 = arith.constant 0 : i32
    %c0_i32_1 = arith.constant 0 : i32
    return %c0_i32, %c0_i32_0 : i32, i32
  }
  func.func @transform_5(%arg0: i32) -> (i32, i32) {
    %c0_i32 = arith.constant 0 : i32
    %c0_i32_0 = arith.constant 0 : i32
    %c0_i32_1 = arith.constant 0 : i32
    return %c0_i32, %c0_i32_0 : i32, i32
  }
}

module attributes {stable_mosaic.version = 14 : i64} {
  func.func @_k3_body(%arg0: i32, %arg1: i32, %arg2: memref<400x256xf32, #tpu.memory_space<vmem>>, %arg3: memref<1x256xf32, #tpu.memory_space<vmem>>, %arg4: memref<1x256xf32, #tpu.memory_space<vmem>>, %arg5: memref<1x256xf32, #tpu.memory_space<vmem>>, %arg6: memref<1x256xf32, #tpu.memory_space<vmem>>, %arg7: memref<1x400x128xf32, #tpu.memory_space<vmem>>, %arg8: memref<1x400x128xf32, #tpu.memory_space<vmem>>, %arg9: memref<256x128xf32, #tpu.memory_space<vmem>>, %arg10: memref<400x1xi32, #tpu.memory_space<vmem>>, %arg11: memref<400x256xf32, #tpu.memory_space<vmem>>, %arg12: memref<1x400x128xf32, #tpu.memory_space<vmem>>, %arg13: memref<400x1xf32, #tpu.memory_space<vmem>>, %arg14: memref<64x256xf32, #tpu.memory_space<vmem>>, %arg15: memref<64x1xf32, #tpu.memory_space<vmem>>, %arg16: memref<64x256xf32, #tpu.memory_space<vmem>>, %arg17: memref<64x1xf32, #tpu.memory_space<vmem>>) attributes {dimension_semantics = [#tpu.dimension_semantics<arbitrary>, #tpu.dimension_semantics<arbitrary>], iteration_bounds = array<i64: 25, 2>, scalar_prefetch = 0 : i64, scratch_operands = 2 : i64, tpu.core_type = #tpu.core_type<tc>, window_params = [{transform_indices = @transform_0, window_bounds = array<i64: 400, 256>}, {pipeline_mode = #tpu.pipeline_mode<synchronous>, transform_indices = @transform_1, window_bounds = array<i64: 1, 256>}, {pipeline_mode = #tpu.pipeline_mode<synchronous>, transform_indices = @transform_2, window_bounds = array<i64: 1, 256>}, {pipeline_mode = #tpu.pipeline_mode<synchronous>, transform_indices = @transform_3, window_bounds = array<i64: 1, 256>}, {pipeline_mode = #tpu.pipeline_mode<synchronous>, transform_indices = @transform_4, window_bounds = array<i64: 1, 256>}, {transform_indices = @transform_5, window_bounds = array<i64: 1, 400, 128>}, {transform_indices = @transform_6, window_bounds = array<i64: 1, 400, 128>}, {transform_indices = @transform_7, window_bounds = array<i64: 256, 128>}, {transform_indices = @transform_8, window_bounds = array<i64: 400, 1>}, {transform_indices = @transform_9, window_bounds = array<i64: 400, 256>}, {transform_indices = @transform_10, window_bounds = array<i64: 1, 400, 128>}, {transform_indices = @transform_11, window_bounds = array<i64: 400, 1>}, {pipeline_mode = #tpu.pipeline_mode<synchronous>, transform_indices = @transform_12, window_bounds = array<i64: 64, 256>}, {pipeline_mode = #tpu.pipeline_mode<synchronous>, transform_indices = @transform_13, window_bounds = array<i64: 64, 1>}]} {
    %get3A = arith.constant 0 : index
    %get3A_0 = arith.constant 0 : index
    %get3A_1 = vector.load %arg2[%get3A, %get3A_0] : memref<400x256xf32, #tpu.memory_space<vmem>>, vector<400x256xf32>
    %get3A_2 = arith.constant 0 : index
    %get3A_3 = arith.constant 0 : index
    %get3A_4 = vector.load %arg3[%get3A_2, %get3A_3] : memref<1x256xf32, #tpu.memory_space<vmem>>, vector<1x256xf32>
    %mul3A = arith.constant 9.99999974E-5 : f32
    %mul3A_5 = vector.broadcast %mul3A : f32 to vector<1x256xf32>
    %mul3A_6 = arith.mulf %get3A_4, %mul3A_5 : vector<1x256xf32>
    %get3A_7 = arith.constant 0 : index
    %get3A_8 = arith.constant 0 : index
    %get3A_9 = vector.load %arg4[%get3A_7, %get3A_8] : memref<1x256xf32, #tpu.memory_space<vmem>>, vector<1x256xf32>
    %mul3A_10 = arith.constant 9.99999974E-5 : f32
    %mul3A_11 = vector.broadcast %mul3A_10 : f32 to vector<1x256xf32>
    %mul3A_12 = arith.mulf %get3A_9, %mul3A_11 : vector<1x256xf32>
    %mul3A_13 = arith.mulf %mul3A_6, %mul3A_6 : vector<1x256xf32>
    %sub3A = arith.subf %mul3A_12, %mul3A_13 : vector<1x256xf32>
    %add3A = arith.constant 9.99999974E-6 : f32
    %add3A_14 = vector.broadcast %add3A : f32 to vector<1x256xf32>
    %add3A_15 = arith.addf %sub3A, %add3A_14 : vector<1x256xf32>
    %rsqrt3A = math.rsqrt %add3A_15 : vector<1x256xf32>
    %sub3A_16 = vector.broadcast %mul3A_6 : vector<1x256xf32> to vector<400x256xf32>
    %sub3A_17 = arith.subf %get3A_1, %sub3A_16 : vector<400x256xf32>
    %mul3A_18 = vector.broadcast %rsqrt3A : vector<1x256xf32> to vector<400x256xf32>
    %mul3A_19 = arith.mulf %sub3A_17, %mul3A_18 : vector<400x256xf32>
    %get3A_20 = arith.constant 0 : index
    %get3A_21 = arith.constant 0 : index
    %get3A_22 = vector.load %arg5[%get3A_20, %get3A_21] : memref<1x256xf32, #tpu.memory_space<vmem>>, vector<1x256xf32>
    %mul3A_23 = vector.broadcast %get3A_22 : vector<1x256xf32> to vector<400x256xf32>
    %mul3A_24 = arith.mulf %mul3A_19, %mul3A_23 : vector<400x256xf32>
    %get3A_25 = arith.constant 0 : index
    %get3A_26 = arith.constant 0 : index
    %get3A_27 = vector.load %arg6[%get3A_25, %get3A_26] : memref<1x256xf32, #tpu.memory_space<vmem>>, vector<1x256xf32>
    %add3A_28 = vector.broadcast %get3A_27 : vector<1x256xf32> to vector<400x256xf32>
    %add3A_29 = arith.addf %mul3A_24, %add3A_28 : vector<400x256xf32>
    %get3A_30 = arith.constant 0 : index
    %get3A_31 = arith.constant 0 : index
    %get3A_32 = arith.constant 0 : index
    %get3A_33 = vector.load %arg7[%get3A_30, %get3A_31, %get3A_32] : memref<1x400x128xf32, #tpu.memory_space<vmem>>, vector<1x400x1xf32>
    %get3A_34 = vector.shape_cast %get3A_33 : vector<1x400x1xf32> to vector<400x1xf32>
    %get3A_35 = arith.constant 0 : index
    %get3A_36 = arith.constant 0 : index
    %get3A_37 = arith.constant 0 : index
    %get3A_38 = vector.load %arg8[%get3A_35, %get3A_36, %get3A_37] : memref<1x400x128xf32, #tpu.memory_space<vmem>>, vector<1x400x1xf32>
    %get3A_39 = vector.shape_cast %get3A_38 : vector<1x400x1xf32> to vector<400x1xf32>
    %add3A_40 = arith.addf %get3A_34, %get3A_39 : vector<400x1xf32>
    %add3A_41 = arith.constant 1.000000e+00 : f32
    %add3A_42 = vector.broadcast %add3A_41 : f32 to vector<400x1xf32>
    %add3A_43 = arith.addf %add3A_40, %add3A_42 : vector<400x1xf32>
    %rsqrt3A_44 = math.rsqrt %add3A_43 : vector<400x1xf32>
    %get3A_45 = arith.constant 0 : index
    %get3A_46 = arith.constant 0 : index
    %get3A_47 = vector.load %arg9[%get3A_45, %get3A_46] : memref<256x128xf32, #tpu.memory_space<vmem>>, vector<256x128xf32>
    %dot_general3A = arith.constant dense<0.000000e+00> : vector<400x128xf32>
    %dot_general3A_48 = tpu.matmul %add3A_29, %get3A_47, %dot_general3A {dimension_numbers = #tpu.dot_dimension_numbers<[1], [0], [0], [1], [0, 0, 1, 1], [], []>, transpose_lhs_hint = false} : vector<400x256xf32>, vector<256x128xf32>, vector<400x128xf32> -> vector<400x128xf32>
    %mul3A_49 = vector.broadcast %rsqrt3A_44 : vector<400x1xf32> to vector<400x128xf32>
    %mul3A_50 = arith.mulf %dot_general3A_48, %mul3A_49 : vector<400x128xf32>
    %swap3A = arith.constant 0 : index
    %swap3A_51 = arith.constant 0 : index
    %swap3A_52 = arith.constant 0 : index
    %swap3A_53 = vector.load %arg12[%swap3A, %swap3A_51, %swap3A_52] : memref<1x400x128xf32, #tpu.memory_space<vmem>>, vector<1x400x128xf32>
    %swap3A_54 = vector.shape_cast %swap3A_53 : vector<1x400x128xf32> to vector<400x128xf32>
    %swap3A_55 = vector.shape_cast %mul3A_50 : vector<400x128xf32> to vector<1x400x128xf32>
    tpu.vector_store %arg12[%swap3A, %swap3A_51, %swap3A_52], %swap3A_55 {strides = array<i32>} : memref<1x400x128xf32, #tpu.memory_space<vmem>>, vector<1x400x128xf32>,
    %eq3A = arith.constant 0 : i32
    %eq3A_56 = arith.cmpi eq, %arg1, %eq3A : i32
    %convert_element_type3A = arith.extui %eq3A_56 : i1 to i32
    %cond3A = arith.constant 0 : i32
    %cond3A_57 = arith.cmpi ne, %convert_element_type3A, %cond3A : i32
    scf.if %cond3A_57 {
      %swap3A_65 = arith.constant 0 : index
      %swap3A_66 = arith.constant 0 : index
      %swap3A_67 = vector.load %arg11[%swap3A_65, %swap3A_66] : memref<400x256xf32, #tpu.memory_space<vmem>>, vector<400x256xf32>
      tpu.vector_store %arg11[%swap3A_65, %swap3A_66], %add3A_29 {strides = array<i32>} : memref<400x256xf32, #tpu.memory_space<vmem>>, vector<400x256xf32>,
      %swap3A_68 = arith.constant 0 : index
      %swap3A_69 = arith.constant 0 : index
      %swap3A_70 = vector.load %arg13[%swap3A_68, %swap3A_69] : memref<400x1xf32, #tpu.memory_space<vmem>>, vector<400x1xf32>
      tpu.vector_store %arg13[%swap3A_68, %swap3A_69], %rsqrt3A_44 {strides = array<i32>} : memref<400x1xf32, #tpu.memory_space<vmem>>, vector<400x1xf32>,
      %get3A_71 = arith.constant 0 : index
      %get3A_72 = arith.constant 0 : index
      %get3A_73 = vector.load %arg10[%get3A_71, %get3A_72] : memref<400x1xi32, #tpu.memory_space<vmem>>, vector<400x1xi32>
      %iota3A = tpu.iota {dimensions = array<i32: 1>} : vector<1x64xi32>
      %eq3A_74 = vector.broadcast %get3A_73 : vector<400x1xi32> to vector<400x64xi32>
      %eq3A_75 = vector.broadcast %iota3A : vector<1x64xi32> to vector<400x64xi32>
      %eq3A_76 = arith.cmpi eq, %eq3A_74, %eq3A_75 : vector<400x64xi32>
      %convert_element_type3A_77 = arith.extui %eq3A_76 : vector<400x64xi1> to vector<400x64xi32>
      %convert_element_type3A_78 = arith.sitofp %convert_element_type3A_77 : vector<400x64xi32> to vector<400x64xf32>
      %dot_general3A_79 = arith.constant dense<0.000000e+00> : vector<64x256xf32>
      %dot_general3A_80 = tpu.matmul %convert_element_type3A_78, %add3A_29, %dot_general3A_79 {dimension_numbers = #tpu.dot_dimension_numbers<[0], [0], [1], [1], [0, 1, 1, 1], [], []>, transpose_lhs_hint = false} : vector<400x64xf32>, vector<400x256xf32>, vector<64x256xf32> -> vector<64x256xf32>
      %broadcast_in_dim3A = arith.constant 1.000000e+00 : f32
      %broadcast_in_dim3A_81 = vector.broadcast %broadcast_in_dim3A : f32 to vector<400x1xf32>
      %dot_general3A_82 = arith.constant dense<0.000000e+00> : vector<64x1xf32>
      %dot_general3A_83 = tpu.matmul %convert_element_type3A_78, %broadcast_in_dim3A_81, %dot_general3A_82 {dimension_numbers = #tpu.dot_dimension_numbers<[0], [0], [1], [1], [0, 1, 1, 1], [], []>, transpose_lhs_hint = false} : vector<400x64xf32>, vector<400x1xf32>, vector<64x1xf32> -> vector<64x1xf32>
      %eq3A_84 = arith.constant 0 : i32
      %eq3A_85 = arith.cmpi eq, %arg0, %eq3A_84 : i32
      %convert_element_type3A_86 = arith.extui %eq3A_85 : i1 to i32
      %cond3A_87 = arith.constant 0 : i32
      %cond3A_88 = arith.cmpi ne, %convert_element_type3A_86, %cond3A_87 : i32
      scf.if %cond3A_88 {
        %swap3A_93 = arith.constant 0 : index
        %swap3A_94 = arith.constant 0 : index
        %swap3A_95 = vector.load %arg16[%swap3A_93, %swap3A_94] : memref<64x256xf32, #tpu.memory_space<vmem>>, vector<64x256xf32>
        tpu.vector_store %arg16[%swap3A_93, %swap3A_94], %dot_general3A_80 {strides = array<i32>} : memref<64x256xf32, #tpu.memory_space<vmem>>, vector<64x256xf32>,
        %swap3A_96 = arith.constant 0 : index
        %swap3A_97 = arith.constant 0 : index
        %swap3A_98 = vector.load %arg17[%swap3A_96, %swap3A_97] : memref<64x1xf32, #tpu.memory_space<vmem>>, vector<64x1xf32>
        tpu.vector_store %arg17[%swap3A_96, %swap3A_97], %dot_general3A_83 {strides = array<i32>} : memref<64x1xf32, #tpu.memory_space<vmem>>, vector<64x1xf32>,
      } else {
      }
      %gt3A = arith.constant 0 : i32
      %gt3A_89 = arith.cmpi sgt, %arg0, %gt3A : i32
      %convert_element_type3A_90 = arith.extui %gt3A_89 : i1 to i32
      %cond3A_91 = arith.constant 0 : i32
      %cond3A_92 = arith.cmpi ne, %convert_element_type3A_90, %cond3A_91 : i32
      scf.if %cond3A_92 {
        %get3A_93 = arith.constant 0 : index
        %get3A_94 = arith.constant 0 : index
        %get3A_95 = vector.load %arg16[%get3A_93, %get3A_94] : memref<64x256xf32, #tpu.memory_space<vmem>>, vector<64x256xf32>
        %add3A_96 = arith.addf %get3A_95, %dot_general3A_80 : vector<64x256xf32>
        %swap3A_97 = arith.constant 0 : index
        %swap3A_98 = arith.constant 0 : index
        %swap3A_99 = vector.load %arg16[%swap3A_97, %swap3A_98] : memref<64x256xf32, #tpu.memory_space<vmem>>, vector<64x256xf32>
        tpu.vector_store %arg16[%swap3A_97, %swap3A_98], %add3A_96 {strides = array<i32>} : memref<64x256xf32, #tpu.memory_space<vmem>>, vector<64x256xf32>,
        %get3A_100 = arith.constant 0 : index
        %get3A_101 = arith.constant 0 : index
        %get3A_102 = vector.load %arg17[%get3A_100, %get3A_101] : memref<64x1xf32, #tpu.memory_space<vmem>>, vector<64x1xf32>
        %add3A_103 = arith.addf %get3A_102, %dot_general3A_83 : vector<64x1xf32>
        %swap3A_104 = arith.constant 0 : index
        %swap3A_105 = arith.constant 0 : index
        %swap3A_106 = vector.load %arg17[%swap3A_104, %swap3A_105] : memref<64x1xf32, #tpu.memory_space<vmem>>, vector<64x1xf32>
        tpu.vector_store %arg17[%swap3A_104, %swap3A_105], %add3A_103 {strides = array<i32>} : memref<64x1xf32, #tpu.memory_space<vmem>>, vector<64x1xf32>,
      } else {
      }
    } else {
    }
    %eq3A_58 = arith.constant 24 : i32
    %eq3A_59 = arith.cmpi eq, %arg0, %eq3A_58 : i32
    %eq3A_60 = arith.constant 1 : i32
    %eq3A_61 = arith.cmpi eq, %arg1, %eq3A_60 : i32
    %and3A = arith.andi %eq3A_59, %eq3A_61 : i1
    %convert_element_type3A_62 = arith.extui %and3A : i1 to i32
    %cond3A_63 = arith.constant 0 : i32
    %cond3A_64 = arith.cmpi ne, %convert_element_type3A_62, %cond3A_63 : i32
    scf.if %cond3A_64 {
      %get3A_65 = arith.constant 0 : index
      %get3A_66 = arith.constant 0 : index
      %get3A_67 = vector.load %arg16[%get3A_65, %get3A_66] : memref<64x256xf32, #tpu.memory_space<vmem>>, vector<64x256xf32>
      %swap3A_68 = arith.constant 0 : index
      %swap3A_69 = arith.constant 0 : index
      %swap3A_70 = vector.load %arg14[%swap3A_68, %swap3A_69] : memref<64x256xf32, #tpu.memory_space<vmem>>, vector<64x256xf32>
      tpu.vector_store %arg14[%swap3A_68, %swap3A_69], %get3A_67 {strides = array<i32>} : memref<64x256xf32, #tpu.memory_space<vmem>>, vector<64x256xf32>,
      %get3A_71 = arith.constant 0 : index
      %get3A_72 = arith.constant 0 : index
      %get3A_73 = vector.load %arg17[%get3A_71, %get3A_72] : memref<64x1xf32, #tpu.memory_space<vmem>>, vector<64x1xf32>
      %swap3A_74 = arith.constant 0 : index
      %swap3A_75 = arith.constant 0 : index
      %swap3A_76 = vector.load %arg15[%swap3A_74, %swap3A_75] : memref<64x1xf32, #tpu.memory_space<vmem>>, vector<64x1xf32>
      tpu.vector_store %arg15[%swap3A_74, %swap3A_75], %get3A_73 {strides = array<i32>} : memref<64x1xf32, #tpu.memory_space<vmem>>, vector<64x1xf32>,
    } else {
    }
    return
  }
  func.func @transform_0(%arg0: i32, %arg1: i32) -> (i32, i32) {
    %c0_i32 = arith.constant 0 : i32
    %c0_i32_0 = arith.constant 0 : i32
    return %arg0, %c0_i32 : i32, i32
  }
  func.func @transform_1(%arg0: i32, %arg1: i32) -> (i32, i32) {
    %c0_i32 = arith.constant 0 : i32
    %c0_i32_0 = arith.constant 0 : i32
    %c0_i32_1 = arith.constant 0 : i32
    return %c0_i32, %c0_i32_0 : i32, i32
  }
  func.func @transform_2(%arg0: i32, %arg1: i32) -> (i32, i32) {
    %c0_i32 = arith.constant 0 : i32
    %c0_i32_0 = arith.constant 0 : i32
    %c0_i32_1 = arith.constant 0 : i32
    return %c0_i32, %c0_i32_0 : i32, i32
  }
  func.func @transform_3(%arg0: i32, %arg1: i32) -> (i32, i32) {
    %c0_i32 = arith.constant 0 : i32
    %c0_i32_0 = arith.constant 0 : i32
    %c0_i32_1 = arith.constant 0 : i32
    return %c0_i32, %c0_i32_0 : i32, i32
  }
  func.func @transform_4(%arg0: i32, %arg1: i32) -> (i32, i32) {
    %c0_i32 = arith.constant 0 : i32
    %c0_i32_0 = arith.constant 0 : i32
    %c0_i32_1 = arith.constant 0 : i32
    return %c0_i32, %c0_i32_0 : i32, i32
  }
  func.func @transform_5(%arg0: i32, %arg1: i32) -> (i32, i32, i32) {
    %c0_i32 = arith.constant 0 : i32
    %c0_i32_0 = arith.constant 0 : i32
    %c0_i32_1 = arith.constant 0 : i32
    return %c0_i32, %arg0, %c0_i32_0 : i32, i32, i32
  }
  func.func @transform_6(%arg0: i32, %arg1: i32) -> (i32, i32, i32) {
    %c1_i32 = arith.constant 1 : i32
    %c0_i32 = arith.constant 0 : i32
    %c0_i32_0 = arith.constant 0 : i32
    return %c1_i32, %arg0, %c0_i32 : i32, i32, i32
  }
  func.func @transform_7(%arg0: i32, %arg1: i32) -> (i32, i32) {
    %c0_i32 = arith.constant 0 : i32
    %c0_i32_0 = arith.constant 0 : i32
    return %c0_i32, %arg1 : i32, i32
  }
  func.func @transform_8(%arg0: i32, %arg1: i32) -> (i32, i32) {
    %c0_i32 = arith.constant 0 : i32
    %c0_i32_0 = arith.constant 0 : i32
    return %arg0, %c0_i32 : i32, i32
  }
  func.func @transform_9(%arg0: i32, %arg1: i32) -> (i32, i32) {
    %c0_i32 = arith.constant 0 : i32
    %c0_i32_0 = arith.constant 0 : i32
    return %arg0, %c0_i32 : i32, i32
  }
  func.func @transform_10(%arg0: i32, %arg1: i32) -> (i32, i32, i32) {
    %c0_i32 = arith.constant 0 : i32
    %c0_i32_0 = arith.constant 0 : i32
    return %arg1, %arg0, %c0_i32 : i32, i32, i32
  }
  func.func @transform_11(%arg0: i32, %arg1: i32) -> (i32, i32) {
    %c0_i32 = arith.constant 0 : i32
    %c0_i32_0 = arith.constant 0 : i32
    return %arg0, %c0_i32 : i32, i32
  }
  func.func @transform_12(%arg0: i32, %arg1: i32) -> (i32, i32) {
    %c0_i32 = arith.constant 0 : i32
    %c0_i32_0 = arith.constant 0 : i32
    %c0_i32_1 = arith.constant 0 : i32
    return %c0_i32, %c0_i32_0 : i32, i32
  }
  func.func @transform_13(%arg0: i32, %arg1: i32) -> (i32, i32) {
    %c0_i32 = arith.constant 0 : i32
    %c0_i32_0 = arith.constant 0 : i32
    %c0_i32_1 = arith.constant 0 : i32
    return %c0_i32, %c0_i32_0 : i32, i32
  }
}

module attributes {stable_mosaic.version = 14 : i64} {
  func.func @_k5_body(%arg0: i32, %arg1: memref<1x400x128xf32, #tpu.memory_space<vmem>>, %arg2: memref<1x400x128xf32, #tpu.memory_space<vmem>>, %arg3: memref<400x1xf32, #tpu.memory_space<vmem>>, %arg4: memref<1x256xf32, #tpu.memory_space<vmem>>, %arg5: memref<1x256xf32, #tpu.memory_space<vmem>>, %arg6: memref<1x256xf32, #tpu.memory_space<vmem>>, %arg7: memref<1x256xf32, #tpu.memory_space<vmem>>, %arg8: memref<1x256xf32, #tpu.memory_space<vmem>>) attributes {dimension_semantics = [#tpu.dimension_semantics<arbitrary>], iteration_bounds = array<i64: 25>, scalar_prefetch = 0 : i64, scratch_operands = 2 : i64, tpu.core_type = #tpu.core_type<tc>, window_params = [{transform_indices = @transform_0, window_bounds = array<i64: 1, 400, 128>}, {transform_indices = @transform_1, window_bounds = array<i64: 1, 400, 128>}, {transform_indices = @transform_2, window_bounds = array<i64: 400, 1>}, {pipeline_mode = #tpu.pipeline_mode<synchronous>, transform_indices = @transform_3, window_bounds = array<i64: 1, 256>}, {pipeline_mode = #tpu.pipeline_mode<synchronous>, transform_indices = @transform_4, window_bounds = array<i64: 1, 256>}, {pipeline_mode = #tpu.pipeline_mode<synchronous>, transform_indices = @transform_5, window_bounds = array<i64: 1, 256>}]} {
    %get3A = arith.constant 0 : index
    %get3A_0 = arith.constant 0 : index
    %get3A_1 = arith.constant 0 : index
    %get3A_2 = vector.load %arg1[%get3A, %get3A_0, %get3A_1] : memref<1x400x128xf32, #tpu.memory_space<vmem>>, vector<1x400x128xf32>
    %get3A_3 = vector.shape_cast %get3A_2 : vector<1x400x128xf32> to vector<400x128xf32>
    %get3A_4 = arith.constant 0 : index
    %get3A_5 = arith.constant 0 : index
    %get3A_6 = arith.constant 0 : index
    %get3A_7 = vector.load %arg2[%get3A_4, %get3A_5, %get3A_6] : memref<1x400x128xf32, #tpu.memory_space<vmem>>, vector<1x400x128xf32>
    %get3A_8 = vector.shape_cast %get3A_7 : vector<1x400x128xf32> to vector<400x128xf32>
    %concatenate3A = tpu.concatenate %get3A_3, %get3A_8 in 1 : vector<400x128xf32>, vector<400x128xf32> -> vector<400x256xf32>
    %get3A_9 = arith.constant 0 : index
    %get3A_10 = arith.constant 0 : index
    %get3A_11 = vector.load %arg3[%get3A_9, %get3A_10] : memref<400x1xf32, #tpu.memory_space<vmem>>, vector<400x1xf32>
    %mul3A = vector.broadcast %get3A_11 : vector<400x1xf32> to vector<400x256xf32>
    %mul3A_12 = arith.mulf %concatenate3A, %mul3A : vector<400x256xf32>
    %get3A_13 = arith.constant 0 : index
    %get3A_14 = arith.constant 0 : index
    %get3A_15 = vector.load %arg4[%get3A_13, %get3A_14] : memref<1x256xf32, #tpu.memory_space<vmem>>, vector<1x256xf32>
    %add3A = vector.broadcast %get3A_15 : vector<1x256xf32> to vector<400x256xf32>
    %add3A_16 = arith.addf %mul3A_12, %add3A : vector<400x256xf32>
    %reduce_sum3A = arith.constant dense<0.000000e+00> : vector<256xf32>
    %reduce_sum3A_17 = vector.multi_reduction <add>, %add3A_16, %reduce_sum3A [0] : vector<400x256xf32> to vector<256xf32>
    %broadcast_in_dim3A = vector.shape_cast %reduce_sum3A_17 : vector<256xf32> to vector<1x256xf32>
    %mul3A_18 = arith.mulf %add3A_16, %add3A_16 : vector<400x256xf32>
    %reduce_sum3A_19 = arith.constant dense<0.000000e+00> : vector<256xf32>
    %reduce_sum3A_20 = vector.multi_reduction <add>, %mul3A_18, %reduce_sum3A_19 [0] : vector<400x256xf32> to vector<256xf32>
    %broadcast_in_dim3A_21 = vector.shape_cast %reduce_sum3A_20 : vector<256xf32> to vector<1x256xf32>
    %eq3A = arith.constant 0 : i32
    %eq3A_22 = arith.cmpi eq, %arg0, %eq3A : i32
    %convert_element_type3A = arith.extui %eq3A_22 : i1 to i32
    %cond3A = arith.constant 0 : i32
    %cond3A_23 = arith.cmpi ne, %convert_element_type3A, %cond3A : i32
    scf.if %cond3A_23 {
      %swap3A = arith.constant 0 : index
      %swap3A_33 = arith.constant 0 : index
      %swap3A_34 = vector.load %arg7[%swap3A, %swap3A_33] : memref<1x256xf32, #tpu.memory_space<vmem>>, vector<1x256xf32>
      tpu.vector_store %arg7[%swap3A, %swap3A_33], %broadcast_in_dim3A {strides = array<i32>} : memref<1x256xf32, #tpu.memory_space<vmem>>, vector<1x256xf32>,
      %swap3A_35 = arith.constant 0 : index
      %swap3A_36 = arith.constant 0 : index
      %swap3A_37 = vector.load %arg8[%swap3A_35, %swap3A_36] : memref<1x256xf32, #tpu.memory_space<vmem>>, vector<1x256xf32>
      tpu.vector_store %arg8[%swap3A_35, %swap3A_36], %broadcast_in_dim3A_21 {strides = array<i32>} : memref<1x256xf32, #tpu.memory_space<vmem>>, vector<1x256xf32>,
    } else {
    }
    %gt3A = arith.constant 0 : i32
    %gt3A_24 = arith.cmpi sgt, %arg0, %gt3A : i32
    %convert_element_type3A_25 = arith.extui %gt3A_24 : i1 to i32
    %cond3A_26 = arith.constant 0 : i32
    %cond3A_27 = arith.cmpi ne, %convert_element_type3A_25, %cond3A_26 : i32
    scf.if %cond3A_27 {
      %get3A_33 = arith.constant 0 : index
      %get3A_34 = arith.constant 0 : index
      %get3A_35 = vector.load %arg7[%get3A_33, %get3A_34] : memref<1x256xf32, #tpu.memory_space<vmem>>, vector<1x256xf32>
      %add3A_36 = arith.addf %get3A_35, %broadcast_in_dim3A : vector<1x256xf32>
      %swap3A = arith.constant 0 : index
      %swap3A_37 = arith.constant 0 : index
      %swap3A_38 = vector.load %arg7[%swap3A, %swap3A_37] : memref<1x256xf32, #tpu.memory_space<vmem>>, vector<1x256xf32>
      tpu.vector_store %arg7[%swap3A, %swap3A_37], %add3A_36 {strides = array<i32>} : memref<1x256xf32, #tpu.memory_space<vmem>>, vector<1x256xf32>,
      %get3A_39 = arith.constant 0 : index
      %get3A_40 = arith.constant 0 : index
      %get3A_41 = vector.load %arg8[%get3A_39, %get3A_40] : memref<1x256xf32, #tpu.memory_space<vmem>>, vector<1x256xf32>
      %add3A_42 = arith.addf %get3A_41, %broadcast_in_dim3A_21 : vector<1x256xf32>
      %swap3A_43 = arith.constant 0 : index
      %swap3A_44 = arith.constant 0 : index
      %swap3A_45 = vector.load %arg8[%swap3A_43, %swap3A_44] : memref<1x256xf32, #tpu.memory_space<vmem>>, vector<1x256xf32>
      tpu.vector_store %arg8[%swap3A_43, %swap3A_44], %add3A_42 {strides = array<i32>} : memref<1x256xf32, #tpu.memory_space<vmem>>, vector<1x256xf32>,
    } else {
    }
    %eq3A_28 = arith.constant 24 : i32
    %eq3A_29 = arith.cmpi eq, %arg0, %eq3A_28 : i32
    %convert_element_type3A_30 = arith.extui %eq3A_29 : i1 to i32
    %cond3A_31 = arith.constant 0 : i32
    %cond3A_32 = arith.cmpi ne, %convert_element_type3A_30, %cond3A_31 : i32
    scf.if %cond3A_32 {
      %get3A_33 = arith.constant 0 : index
      %get3A_34 = arith.constant 0 : index
      %get3A_35 = vector.load %arg7[%get3A_33, %get3A_34] : memref<1x256xf32, #tpu.memory_space<vmem>>, vector<1x256xf32>
      %swap3A = arith.constant 0 : index
      %swap3A_36 = arith.constant 0 : index
      %swap3A_37 = vector.load %arg5[%swap3A, %swap3A_36] : memref<1x256xf32, #tpu.memory_space<vmem>>, vector<1x256xf32>
      tpu.vector_store %arg5[%swap3A, %swap3A_36], %get3A_35 {strides = array<i32>} : memref<1x256xf32, #tpu.memory_space<vmem>>, vector<1x256xf32>,
      %get3A_38 = arith.constant 0 : index
      %get3A_39 = arith.constant 0 : index
      %get3A_40 = vector.load %arg8[%get3A_38, %get3A_39] : memref<1x256xf32, #tpu.memory_space<vmem>>, vector<1x256xf32>
      %swap3A_41 = arith.constant 0 : index
      %swap3A_42 = arith.constant 0 : index
      %swap3A_43 = vector.load %arg6[%swap3A_41, %swap3A_42] : memref<1x256xf32, #tpu.memory_space<vmem>>, vector<1x256xf32>
      tpu.vector_store %arg6[%swap3A_41, %swap3A_42], %get3A_40 {strides = array<i32>} : memref<1x256xf32, #tpu.memory_space<vmem>>, vector<1x256xf32>,
    } else {
    }
    return
  }
  func.func @transform_0(%arg0: i32) -> (i32, i32, i32) {
    %c0_i32 = arith.constant 0 : i32
    %c0_i32_0 = arith.constant 0 : i32
    %c0_i32_1 = arith.constant 0 : i32
    return %c0_i32, %arg0, %c0_i32_0 : i32, i32, i32
  }
  func.func @transform_1(%arg0: i32) -> (i32, i32, i32) {
    %c1_i32 = arith.constant 1 : i32
    %c0_i32 = arith.constant 0 : i32
    %c0_i32_0 = arith.constant 0 : i32
    return %c1_i32, %arg0, %c0_i32 : i32, i32, i32
  }
  func.func @transform_2(%arg0: i32) -> (i32, i32) {
    %c0_i32 = arith.constant 0 : i32
    %c0_i32_0 = arith.constant 0 : i32
    return %arg0, %c0_i32 : i32, i32
  }
  func.func @transform_3(%arg0: i32) -> (i32, i32) {
    %c0_i32 = arith.constant 0 : i32
    %c0_i32_0 = arith.constant 0 : i32
    %c0_i32_1 = arith.constant 0 : i32
    return %c0_i32, %c0_i32_0 : i32, i32
  }
  func.func @transform_4(%arg0: i32) -> (i32, i32) {
    %c0_i32 = arith.constant 0 : i32
    %c0_i32_0 = arith.constant 0 : i32
    %c0_i32_1 = arith.constant 0 : i32
    return %c0_i32, %c0_i32_0 : i32, i32
  }
  func.func @transform_5(%arg0: i32) -> (i32, i32) {
    %c0_i32 = arith.constant 0 : i32
    %c0_i32_0 = arith.constant 0 : i32
    %c0_i32_1 = arith.constant 0 : i32
    return %c0_i32, %c0_i32_0 : i32, i32
  }
}

module attributes {stable_mosaic.version = 14 : i64} {
  func.func @_k6_body(%arg0: i32, %arg1: i32, %arg2: memref<1x400x128xf32, #tpu.memory_space<vmem>>, %arg3: memref<1x400x128xf32, #tpu.memory_space<vmem>>, %arg4: memref<1x256xf32, #tpu.memory_space<vmem>>, %arg5: memref<1x256xf32, #tpu.memory_space<vmem>>, %arg6: memref<1x256xf32, #tpu.memory_space<vmem>>, %arg7: memref<1x256xf32, #tpu.memory_space<vmem>>, %arg8: memref<1x256xf32, #tpu.memory_space<vmem>>, %arg9: memref<400x256xf32, #tpu.memory_space<vmem>>, %arg10: memref<256x128xf32, #tpu.memory_space<vmem>>, %arg11: memref<400x1xf32, #tpu.memory_space<vmem>>, %arg12: memref<400x256xf32, #tpu.memory_space<vmem>>, %arg13: memref<1x400x128xf32, #tpu.memory_space<vmem>>) attributes {dimension_semantics = [#tpu.dimension_semantics<arbitrary>, #tpu.dimension_semantics<arbitrary>], iteration_bounds = array<i64: 25, 2>, scalar_prefetch = 0 : i64, scratch_operands = 0 : i64, tpu.core_type = #tpu.core_type<tc>, window_params = [{transform_indices = @transform_0, window_bounds = array<i64: 1, 400, 128>}, {transform_indices = @transform_1, window_bounds = array<i64: 1, 400, 128>}, {pipeline_mode = #tpu.pipeline_mode<synchronous>, transform_indices = @transform_2, window_bounds = array<i64: 1, 256>}, {pipeline_mode = #tpu.pipeline_mode<synchronous>, transform_indices = @transform_3, window_bounds = array<i64: 1, 256>}, {pipeline_mode = #tpu.pipeline_mode<synchronous>, transform_indices = @transform_4, window_bounds = array<i64: 1, 256>}, {pipeline_mode = #tpu.pipeline_mode<synchronous>, transform_indices = @transform_5, window_bounds = array<i64: 1, 256>}, {pipeline_mode = #tpu.pipeline_mode<synchronous>, transform_indices = @transform_6, window_bounds = array<i64: 1, 256>}, {transform_indices = @transform_7, window_bounds = array<i64: 400, 256>}, {transform_indices = @transform_8, window_bounds = array<i64: 256, 128>}, {transform_indices = @transform_9, window_bounds = array<i64: 400, 1>}, {transform_indices = @transform_10, window_bounds = array<i64: 400, 256>}, {transform_indices = @transform_11, window_bounds = array<i64: 1, 400, 128>}]} {
    %get3A = arith.constant 0 : index
    %get3A_0 = arith.constant 0 : index
    %get3A_1 = arith.constant 0 : index
    %get3A_2 = vector.load %arg2[%get3A, %get3A_0, %get3A_1] : memref<1x400x128xf32, #tpu.memory_space<vmem>>, vector<1x400x128xf32>
    %get3A_3 = vector.shape_cast %get3A_2 : vector<1x400x128xf32> to vector<400x128xf32>
    %get3A_4 = arith.constant 0 : index
    %get3A_5 = arith.constant 0 : index
    %get3A_6 = arith.constant 0 : index
    %get3A_7 = vector.load %arg3[%get3A_4, %get3A_5, %get3A_6] : memref<1x400x128xf32, #tpu.memory_space<vmem>>, vector<1x400x128xf32>
    %get3A_8 = vector.shape_cast %get3A_7 : vector<1x400x128xf32> to vector<400x128xf32>
    %concatenate3A = tpu.concatenate %get3A_3, %get3A_8 in 1 : vector<400x128xf32>, vector<400x128xf32> -> vector<400x256xf32>
    %get3A_9 = arith.constant 0 : index
    %get3A_10 = arith.constant 0 : index
    %get3A_11 = vector.load %arg11[%get3A_9, %get3A_10] : memref<400x1xf32, #tpu.memory_space<vmem>>, vector<400x1xf32>
    %mul3A = vector.broadcast %get3A_11 : vector<400x1xf32> to vector<400x256xf32>
    %mul3A_12 = arith.mulf %concatenate3A, %mul3A : vector<400x256xf32>
    %get3A_13 = arith.constant 0 : index
    %get3A_14 = arith.constant 0 : index
    %get3A_15 = vector.load %arg4[%get3A_13, %get3A_14] : memref<1x256xf32, #tpu.memory_space<vmem>>, vector<1x256xf32>
    %add3A = vector.broadcast %get3A_15 : vector<1x256xf32> to vector<400x256xf32>
    %add3A_16 = arith.addf %mul3A_12, %add3A : vector<400x256xf32>
    %get3A_17 = arith.constant 0 : index
    %get3A_18 = arith.constant 0 : index
    %get3A_19 = vector.load %arg5[%get3A_17, %get3A_18] : memref<1x256xf32, #tpu.memory_space<vmem>>, vector<1x256xf32>
    %mul3A_20 = arith.constant 9.99999974E-5 : f32
    %mul3A_21 = vector.broadcast %mul3A_20 : f32 to vector<1x256xf32>
    %mul3A_22 = arith.mulf %get3A_19, %mul3A_21 : vector<1x256xf32>
    %get3A_23 = arith.constant 0 : index
    %get3A_24 = arith.constant 0 : index
    %get3A_25 = vector.load %arg6[%get3A_23, %get3A_24] : memref<1x256xf32, #tpu.memory_space<vmem>>, vector<1x256xf32>
    %mul3A_26 = arith.constant 9.99999974E-5 : f32
    %mul3A_27 = vector.broadcast %mul3A_26 : f32 to vector<1x256xf32>
    %mul3A_28 = arith.mulf %get3A_25, %mul3A_27 : vector<1x256xf32>
    %mul3A_29 = arith.mulf %mul3A_22, %mul3A_22 : vector<1x256xf32>
    %sub3A = arith.subf %mul3A_28, %mul3A_29 : vector<1x256xf32>
    %add3A_30 = arith.constant 9.99999974E-6 : f32
    %add3A_31 = vector.broadcast %add3A_30 : f32 to vector<1x256xf32>
    %add3A_32 = arith.addf %sub3A, %add3A_31 : vector<1x256xf32>
    %rsqrt3A = math.rsqrt %add3A_32 : vector<1x256xf32>
    %sub3A_33 = vector.broadcast %mul3A_22 : vector<1x256xf32> to vector<400x256xf32>
    %sub3A_34 = arith.subf %add3A_16, %sub3A_33 : vector<400x256xf32>
    %mul3A_35 = vector.broadcast %rsqrt3A : vector<1x256xf32> to vector<400x256xf32>
    %mul3A_36 = arith.mulf %sub3A_34, %mul3A_35 : vector<400x256xf32>
    %get3A_37 = arith.constant 0 : index
    %get3A_38 = arith.constant 0 : index
    %get3A_39 = vector.load %arg7[%get3A_37, %get3A_38] : memref<1x256xf32, #tpu.memory_space<vmem>>, vector<1x256xf32>
    %mul3A_40 = vector.broadcast %get3A_39 : vector<1x256xf32> to vector<400x256xf32>
    %mul3A_41 = arith.mulf %mul3A_36, %mul3A_40 : vector<400x256xf32>
    %get3A_42 = arith.constant 0 : index
    %get3A_43 = arith.constant 0 : index
    %get3A_44 = vector.load %arg8[%get3A_42, %get3A_43] : memref<1x256xf32, #tpu.memory_space<vmem>>, vector<1x256xf32>
    %add3A_45 = vector.broadcast %get3A_44 : vector<1x256xf32> to vector<400x256xf32>
    %add3A_46 = arith.addf %mul3A_41, %add3A_45 : vector<400x256xf32>
    %mul3A_47 = arith.constant 5.000000e-01 : f32
    %mul3A_48 = vector.broadcast %mul3A_47 : f32 to vector<400x256xf32>
    %mul3A_49 = arith.mulf %mul3A_48, %add3A_46 : vector<400x256xf32>
    %mul3A_50 = arith.constant 0.707106769 : f32
    %mul3A_51 = vector.broadcast %mul3A_50 : f32 to vector<400x256xf32>
    %mul3A_52 = arith.mulf %add3A_46, %mul3A_51 : vector<400x256xf32>
    %erf3A = math.erf %mul3A_52 : vector<400x256xf32>
    %add3A_53 = arith.constant 1.000000e+00 : f32
    %add3A_54 = vector.broadcast %add3A_53 : f32 to vector<400x256xf32>
    %add3A_55 = arith.addf %add3A_54, %erf3A : vector<400x256xf32>
    %mul3A_56 = arith.mulf %mul3A_49, %add3A_55 : vector<400x256xf32>
    %get3A_57 = arith.constant 0 : index
    %get3A_58 = arith.constant 0 : index
    %get3A_59 = vector.load %arg9[%get3A_57, %get3A_58] : memref<400x256xf32, #tpu.memory_space<vmem>>, vector<400x256xf32>
    %add3A_60 = arith.addf %mul3A_56, %get3A_59 : vector<400x256xf32>
    %get3A_61 = arith.constant 0 : index
    %get3A_62 = arith.constant 0 : index
    %get3A_63 = vector.load %arg10[%get3A_61, %get3A_62] : memref<256x128xf32, #tpu.memory_space<vmem>>, vector<256x128xf32>
    %dot_general3A = arith.constant dense<0.000000e+00> : vector<400x128xf32>
    %dot_general3A_64 = tpu.matmul %add3A_60, %get3A_63, %dot_general3A {dimension_numbers = #tpu.dot_dimension_numbers<[1], [0], [0], [1], [0, 0, 1, 1], [], []>, transpose_lhs_hint = false} : vector<400x256xf32>, vector<256x128xf32>, vector<400x128xf32> -> vector<400x128xf32>
    %get3A_65 = arith.constant 0 : index
    %get3A_66 = arith.constant 0 : index
    %get3A_67 = vector.load %arg11[%get3A_65, %get3A_66] : memref<400x1xf32, #tpu.memory_space<vmem>>, vector<400x1xf32>
    %mul3A_68 = vector.broadcast %get3A_67 : vector<400x1xf32> to vector<400x128xf32>
    %mul3A_69 = arith.mulf %dot_general3A_64, %mul3A_68 : vector<400x128xf32>
    %swap3A = arith.constant 0 : index
    %swap3A_70 = arith.constant 0 : index
    %swap3A_71 = arith.constant 0 : index
    %swap3A_72 = vector.load %arg13[%swap3A, %swap3A_70, %swap3A_71] : memref<1x400x128xf32, #tpu.memory_space<vmem>>, vector<1x400x128xf32>
    %swap3A_73 = vector.shape_cast %swap3A_72 : vector<1x400x128xf32> to vector<400x128xf32>
    %swap3A_74 = vector.shape_cast %mul3A_69 : vector<400x128xf32> to vector<1x400x128xf32>
    tpu.vector_store %arg13[%swap3A, %swap3A_70, %swap3A_71], %swap3A_74 {strides = array<i32>} : memref<1x400x128xf32, #tpu.memory_space<vmem>>, vector<1x400x128xf32>,
    %eq3A = arith.constant 0 : i32
    %eq3A_75 = arith.cmpi eq, %arg1, %eq3A : i32
    %convert_element_type3A = arith.extui %eq3A_75 : i1 to i32
    %cond3A = arith.constant 0 : i32
    %cond3A_76 = arith.cmpi ne, %convert_element_type3A, %cond3A : i32
    scf.if %cond3A_76 {
      %swap3A_77 = arith.constant 0 : index
      %swap3A_78 = arith.constant 0 : index
      %swap3A_79 = vector.load %arg12[%swap3A_77, %swap3A_78] : memref<400x256xf32, #tpu.memory_space<vmem>>, vector<400x256xf32>
      tpu.vector_store %arg12[%swap3A_77, %swap3A_78], %add3A_60 {strides = array<i32>} : memref<400x256xf32, #tpu.memory_space<vmem>>, vector<400x256xf32>,
    } else {
    }
    return
  }
  func.func @transform_0(%arg0: i32, %arg1: i32) -> (i32, i32, i32) {
    %c0_i32 = arith.constant 0 : i32
    %c0_i32_0 = arith.constant 0 : i32
    %c0_i32_1 = arith.constant 0 : i32
    return %c0_i32, %arg0, %c0_i32_0 : i32, i32, i32
  }
  func.func @transform_1(%arg0: i32, %arg1: i32) -> (i32, i32, i32) {
    %c1_i32 = arith.constant 1 : i32
    %c0_i32 = arith.constant 0 : i32
    %c0_i32_0 = arith.constant 0 : i32
    return %c1_i32, %arg0, %c0_i32 : i32, i32, i32
  }
  func.func @transform_2(%arg0: i32, %arg1: i32) -> (i32, i32) {
    %c0_i32 = arith.constant 0 : i32
    %c0_i32_0 = arith.constant 0 : i32
    %c0_i32_1 = arith.constant 0 : i32
    return %c0_i32, %c0_i32_0 : i32, i32
  }
  func.func @transform_3(%arg0: i32, %arg1: i32) -> (i32, i32) {
    %c0_i32 = arith.constant 0 : i32
    %c0_i32_0 = arith.constant 0 : i32
    %c0_i32_1 = arith.constant 0 : i32
    return %c0_i32, %c0_i32_0 : i32, i32
  }
  func.func @transform_4(%arg0: i32, %arg1: i32) -> (i32, i32) {
    %c0_i32 = arith.constant 0 : i32
    %c0_i32_0 = arith.constant 0 : i32
    %c0_i32_1 = arith.constant 0 : i32
    return %c0_i32, %c0_i32_0 : i32, i32
  }
  func.func @transform_5(%arg0: i32, %arg1: i32) -> (i32, i32) {
    %c0_i32 = arith.constant 0 : i32
    %c0_i32_0 = arith.constant 0 : i32
    %c0_i32_1 = arith.constant 0 : i32
    return %c0_i32, %c0_i32_0 : i32, i32
  }
  func.func @transform_6(%arg0: i32, %arg1: i32) -> (i32, i32) {
    %c0_i32 = arith.constant 0 : i32
    %c0_i32_0 = arith.constant 0 : i32
    %c0_i32_1 = arith.constant 0 : i32
    return %c0_i32, %c0_i32_0 : i32, i32
  }
  func.func @transform_7(%arg0: i32, %arg1: i32) -> (i32, i32) {
    %c0_i32 = arith.constant 0 : i32
    %c0_i32_0 = arith.constant 0 : i32
    return %arg0, %c0_i32 : i32, i32
  }
  func.func @transform_8(%arg0: i32, %arg1: i32) -> (i32, i32) {
    %c0_i32 = arith.constant 0 : i32
    %c0_i32_0 = arith.constant 0 : i32
    return %c0_i32, %arg1 : i32, i32
  }
  func.func @transform_9(%arg0: i32, %arg1: i32) -> (i32, i32) {
    %c0_i32 = arith.constant 0 : i32
    %c0_i32_0 = arith.constant 0 : i32
    return %arg0, %c0_i32 : i32, i32
  }
  func.func @transform_10(%arg0: i32, %arg1: i32) -> (i32, i32) {
    %c0_i32 = arith.constant 0 : i32
    %c0_i32_0 = arith.constant 0 : i32
    return %arg0, %c0_i32 : i32, i32
  }
  func.func @transform_11(%arg0: i32, %arg1: i32) -> (i32, i32, i32) {
    %c0_i32 = arith.constant 0 : i32
    %c0_i32_0 = arith.constant 0 : i32
    return %arg1, %arg0, %c0_i32 : i32, i32, i32
  }
}

module attributes {stable_mosaic.version = 14 : i64} {
  func.func @_k8b_body(%arg0: i32, %arg1: memref<1x400x128xf32, #tpu.memory_space<vmem>>, %arg2: memref<1x400x128xf32, #tpu.memory_space<vmem>>, %arg3: memref<1x256xf32, #tpu.memory_space<vmem>>, %arg4: memref<400x1xf32, #tpu.memory_space<vmem>>, %arg5: memref<1x256xf32, #tpu.memory_space<vmem>>, %arg6: memref<1x256xf32, #tpu.memory_space<vmem>>, %arg7: memref<1x256xf32, #tpu.memory_space<vmem>>, %arg8: memref<1x256xf32, #tpu.memory_space<vmem>>, %arg9: memref<400x256xf32, #tpu.memory_space<vmem>>, %arg10: memref<400x1xi32, #tpu.memory_space<vmem>>, %arg11: memref<64x256xf32, #tpu.memory_space<vmem>>, %arg12: memref<64x256xf32, #tpu.memory_space<vmem>>) attributes {dimension_semantics = [#tpu.dimension_semantics<arbitrary>], iteration_bounds = array<i64: 25>, scalar_prefetch = 0 : i64, scratch_operands = 1 : i64, tpu.core_type = #tpu.core_type<tc>, window_params = [{transform_indices = @transform_0, window_bounds = array<i64: 1, 400, 128>}, {transform_indices = @transform_1, window_bounds = array<i64: 1, 400, 128>}, {pipeline_mode = #tpu.pipeline_mode<synchronous>, transform_indices = @transform_2, window_bounds = array<i64: 1, 256>}, {transform_indices = @transform_3, window_bounds = array<i64: 400, 1>}, {pipeline_mode = #tpu.pipeline_mode<synchronous>, transform_indices = @transform_4, window_bounds = array<i64: 1, 256>}, {pipeline_mode = #tpu.pipeline_mode<synchronous>, transform_indices = @transform_5, window_bounds = array<i64: 1, 256>}, {pipeline_mode = #tpu.pipeline_mode<synchronous>, transform_indices = @transform_6, window_bounds = array<i64: 1, 256>}, {pipeline_mode = #tpu.pipeline_mode<synchronous>, transform_indices = @transform_7, window_bounds = array<i64: 1, 256>}, {transform_indices = @transform_8, window_bounds = array<i64: 400, 256>}, {transform_indices = @transform_9, window_bounds = array<i64: 400, 1>}, {pipeline_mode = #tpu.pipeline_mode<synchronous>, transform_indices = @transform_10, window_bounds = array<i64: 64, 256>}]} {
    %get3A = arith.constant 0 : index
    %get3A_0 = arith.constant 0 : index
    %get3A_1 = arith.constant 0 : index
    %get3A_2 = vector.load %arg1[%get3A, %get3A_0, %get3A_1] : memref<1x400x128xf32, #tpu.memory_space<vmem>>, vector<1x400x128xf32>
    %get3A_3 = vector.shape_cast %get3A_2 : vector<1x400x128xf32> to vector<400x128xf32>
    %get3A_4 = arith.constant 0 : index
    %get3A_5 = arith.constant 0 : index
    %get3A_6 = arith.constant 0 : index
    %get3A_7 = vector.load %arg2[%get3A_4, %get3A_5, %get3A_6] : memref<1x400x128xf32, #tpu.memory_space<vmem>>, vector<1x400x128xf32>
    %get3A_8 = vector.shape_cast %get3A_7 : vector<1x400x128xf32> to vector<400x128xf32>
    %concatenate3A = tpu.concatenate %get3A_3, %get3A_8 in 1 : vector<400x128xf32>, vector<400x128xf32> -> vector<400x256xf32>
    %get3A_9 = arith.constant 0 : index
    %get3A_10 = arith.constant 0 : index
    %get3A_11 = vector.load %arg4[%get3A_9, %get3A_10] : memref<400x1xf32, #tpu.memory_space<vmem>>, vector<400x1xf32>
    %mul3A = vector.broadcast %get3A_11 : vector<400x1xf32> to vector<400x256xf32>
    %mul3A_12 = arith.mulf %concatenate3A, %mul3A : vector<400x256xf32>
    %get3A_13 = arith.constant 0 : index
    %get3A_14 = arith.constant 0 : index
    %get3A_15 = vector.load %arg3[%get3A_13, %get3A_14] : memref<1x256xf32, #tpu.memory_space<vmem>>, vector<1x256xf32>
    %add3A = vector.broadcast %get3A_15 : vector<1x256xf32> to vector<400x256xf32>
    %add3A_16 = arith.addf %mul3A_12, %add3A : vector<400x256xf32>
    %get3A_17 = arith.constant 0 : index
    %get3A_18 = arith.constant 0 : index
    %get3A_19 = vector.load %arg5[%get3A_17, %get3A_18] : memref<1x256xf32, #tpu.memory_space<vmem>>, vector<1x256xf32>
    %mul3A_20 = arith.constant 9.99999974E-5 : f32
    %mul3A_21 = vector.broadcast %mul3A_20 : f32 to vector<1x256xf32>
    %mul3A_22 = arith.mulf %get3A_19, %mul3A_21 : vector<1x256xf32>
    %get3A_23 = arith.constant 0 : index
    %get3A_24 = arith.constant 0 : index
    %get3A_25 = vector.load %arg6[%get3A_23, %get3A_24] : memref<1x256xf32, #tpu.memory_space<vmem>>, vector<1x256xf32>
    %mul3A_26 = arith.constant 9.99999974E-5 : f32
    %mul3A_27 = vector.broadcast %mul3A_26 : f32 to vector<1x256xf32>
    %mul3A_28 = arith.mulf %get3A_25, %mul3A_27 : vector<1x256xf32>
    %mul3A_29 = arith.mulf %mul3A_22, %mul3A_22 : vector<1x256xf32>
    %sub3A = arith.subf %mul3A_28, %mul3A_29 : vector<1x256xf32>
    %add3A_30 = arith.constant 9.99999974E-6 : f32
    %add3A_31 = vector.broadcast %add3A_30 : f32 to vector<1x256xf32>
    %add3A_32 = arith.addf %sub3A, %add3A_31 : vector<1x256xf32>
    %rsqrt3A = math.rsqrt %add3A_32 : vector<1x256xf32>
    %sub3A_33 = vector.broadcast %mul3A_22 : vector<1x256xf32> to vector<400x256xf32>
    %sub3A_34 = arith.subf %add3A_16, %sub3A_33 : vector<400x256xf32>
    %mul3A_35 = vector.broadcast %rsqrt3A : vector<1x256xf32> to vector<400x256xf32>
    %mul3A_36 = arith.mulf %sub3A_34, %mul3A_35 : vector<400x256xf32>
    %get3A_37 = arith.constant 0 : index
    %get3A_38 = arith.constant 0 : index
    %get3A_39 = vector.load %arg7[%get3A_37, %get3A_38] : memref<1x256xf32, #tpu.memory_space<vmem>>, vector<1x256xf32>
    %mul3A_40 = vector.broadcast %get3A_39 : vector<1x256xf32> to vector<400x256xf32>
    %mul3A_41 = arith.mulf %mul3A_36, %mul3A_40 : vector<400x256xf32>
    %get3A_42 = arith.constant 0 : index
    %get3A_43 = arith.constant 0 : index
    %get3A_44 = vector.load %arg8[%get3A_42, %get3A_43] : memref<1x256xf32, #tpu.memory_space<vmem>>, vector<1x256xf32>
    %add3A_45 = vector.broadcast %get3A_44 : vector<1x256xf32> to vector<400x256xf32>
    %add3A_46 = arith.addf %mul3A_41, %add3A_45 : vector<400x256xf32>
    %mul3A_47 = arith.constant 5.000000e-01 : f32
    %mul3A_48 = vector.broadcast %mul3A_47 : f32 to vector<400x256xf32>
    %mul3A_49 = arith.mulf %mul3A_48, %add3A_46 : vector<400x256xf32>
    %mul3A_50 = arith.constant 0.707106769 : f32
    %mul3A_51 = vector.broadcast %mul3A_50 : f32 to vector<400x256xf32>
    %mul3A_52 = arith.mulf %add3A_46, %mul3A_51 : vector<400x256xf32>
    %erf3A = math.erf %mul3A_52 : vector<400x256xf32>
    %add3A_53 = arith.constant 1.000000e+00 : f32
    %add3A_54 = vector.broadcast %add3A_53 : f32 to vector<400x256xf32>
    %add3A_55 = arith.addf %add3A_54, %erf3A : vector<400x256xf32>
    %mul3A_56 = arith.mulf %mul3A_49, %add3A_55 : vector<400x256xf32>
    %get3A_57 = arith.constant 0 : index
    %get3A_58 = arith.constant 0 : index
    %get3A_59 = vector.load %arg9[%get3A_57, %get3A_58] : memref<400x256xf32, #tpu.memory_space<vmem>>, vector<400x256xf32>
    %add3A_60 = arith.addf %mul3A_56, %get3A_59 : vector<400x256xf32>
    %get3A_61 = arith.constant 0 : index
    %get3A_62 = arith.constant 0 : index
    %get3A_63 = vector.load %arg10[%get3A_61, %get3A_62] : memref<400x1xi32, #tpu.memory_space<vmem>>, vector<400x1xi32>
    %iota3A = tpu.iota {dimensions = array<i32: 1>} : vector<1x64xi32>
    %eq3A = vector.broadcast %get3A_63 : vector<400x1xi32> to vector<400x64xi32>
    %eq3A_64 = vector.broadcast %iota3A : vector<1x64xi32> to vector<400x64xi32>
    %eq3A_65 = arith.cmpi eq, %eq3A, %eq3A_64 : vector<400x64xi32>
    %convert_element_type3A = arith.extui %eq3A_65 : vector<400x64xi1> to vector<400x64xi32>
    %convert_element_type3A_66 = arith.sitofp %convert_element_type3A : vector<400x64xi32> to vector<400x64xf32>
    %dot_general3A = arith.constant dense<0.000000e+00> : vector<64x256xf32>
    %dot_general3A_67 = tpu.matmul %convert_element_type3A_66, %add3A_60, %dot_general3A {dimension_numbers = #tpu.dot_dimension_numbers<[0], [0], [1], [1], [0, 1, 1, 1], [], []>, transpose_lhs_hint = false} : vector<400x64xf32>, vector<400x256xf32>, vector<64x256xf32> -> vector<64x256xf32>
    %eq3A_68 = arith.constant 0 : i32
    %eq3A_69 = arith.cmpi eq, %arg0, %eq3A_68 : i32
    %convert_element_type3A_70 = arith.extui %eq3A_69 : i1 to i32
    %cond3A = arith.constant 0 : i32
    %cond3A_71 = arith.cmpi ne, %convert_element_type3A_70, %cond3A : i32
    scf.if %cond3A_71 {
      %swap3A = arith.constant 0 : index
      %swap3A_81 = arith.constant 0 : index
      %swap3A_82 = vector.load %arg12[%swap3A, %swap3A_81] : memref<64x256xf32, #tpu.memory_space<vmem>>, vector<64x256xf32>
      tpu.vector_store %arg12[%swap3A, %swap3A_81], %dot_general3A_67 {strides = array<i32>} : memref<64x256xf32, #tpu.memory_space<vmem>>, vector<64x256xf32>,
    } else {
    }
    %gt3A = arith.constant 0 : i32
    %gt3A_72 = arith.cmpi sgt, %arg0, %gt3A : i32
    %convert_element_type3A_73 = arith.extui %gt3A_72 : i1 to i32
    %cond3A_74 = arith.constant 0 : i32
    %cond3A_75 = arith.cmpi ne, %convert_element_type3A_73, %cond3A_74 : i32
    scf.if %cond3A_75 {
      %get3A_81 = arith.constant 0 : index
      %get3A_82 = arith.constant 0 : index
      %get3A_83 = vector.load %arg12[%get3A_81, %get3A_82] : memref<64x256xf32, #tpu.memory_space<vmem>>, vector<64x256xf32>
      %add3A_84 = arith.addf %get3A_83, %dot_general3A_67 : vector<64x256xf32>
      %swap3A = arith.constant 0 : index
      %swap3A_85 = arith.constant 0 : index
      %swap3A_86 = vector.load %arg12[%swap3A, %swap3A_85] : memref<64x256xf32, #tpu.memory_space<vmem>>, vector<64x256xf32>
      tpu.vector_store %arg12[%swap3A, %swap3A_85], %add3A_84 {strides = array<i32>} : memref<64x256xf32, #tpu.memory_space<vmem>>, vector<64x256xf32>,
    } else {
    }
    %eq3A_76 = arith.constant 24 : i32
    %eq3A_77 = arith.cmpi eq, %arg0, %eq3A_76 : i32
    %convert_element_type3A_78 = arith.extui %eq3A_77 : i1 to i32
    %cond3A_79 = arith.constant 0 : i32
    %cond3A_80 = arith.cmpi ne, %convert_element_type3A_78, %cond3A_79 : i32
    scf.if %cond3A_80 {
      %get3A_81 = arith.constant 0 : index
      %get3A_82 = arith.constant 0 : index
      %get3A_83 = vector.load %arg12[%get3A_81, %get3A_82] : memref<64x256xf32, #tpu.memory_space<vmem>>, vector<64x256xf32>
      %swap3A = arith.constant 0 : index
      %swap3A_84 = arith.constant 0 : index
      %swap3A_85 = vector.load %arg11[%swap3A, %swap3A_84] : memref<64x256xf32, #tpu.memory_space<vmem>>, vector<64x256xf32>
      tpu.vector_store %arg11[%swap3A, %swap3A_84], %get3A_83 {strides = array<i32>} : memref<64x256xf32, #tpu.memory_space<vmem>>, vector<64x256xf32>,
    } else {
    }
    return
  }
  func.func @transform_0(%arg0: i32) -> (i32, i32, i32) {
    %c0_i32 = arith.constant 0 : i32
    %c0_i32_0 = arith.constant 0 : i32
    %c0_i32_1 = arith.constant 0 : i32
    return %c0_i32, %arg0, %c0_i32_0 : i32, i32, i32
  }
  func.func @transform_1(%arg0: i32) -> (i32, i32, i32) {
    %c1_i32 = arith.constant 1 : i32
    %c0_i32 = arith.constant 0 : i32
    %c0_i32_0 = arith.constant 0 : i32
    return %c1_i32, %arg0, %c0_i32 : i32, i32, i32
  }
  func.func @transform_2(%arg0: i32) -> (i32, i32) {
    %c0_i32 = arith.constant 0 : i32
    %c0_i32_0 = arith.constant 0 : i32
    %c0_i32_1 = arith.constant 0 : i32
    return %c0_i32, %c0_i32_0 : i32, i32
  }
  func.func @transform_3(%arg0: i32) -> (i32, i32) {
    %c0_i32 = arith.constant 0 : i32
    %c0_i32_0 = arith.constant 0 : i32
    return %arg0, %c0_i32 : i32, i32
  }
  func.func @transform_4(%arg0: i32) -> (i32, i32) {
    %c0_i32 = arith.constant 0 : i32
    %c0_i32_0 = arith.constant 0 : i32
    %c0_i32_1 = arith.constant 0 : i32
    return %c0_i32, %c0_i32_0 : i32, i32
  }
  func.func @transform_5(%arg0: i32) -> (i32, i32) {
    %c0_i32 = arith.constant 0 : i32
    %c0_i32_0 = arith.constant 0 : i32
    %c0_i32_1 = arith.constant 0 : i32
    return %c0_i32, %c0_i32_0 : i32, i32
  }
  func.func @transform_6(%arg0: i32) -> (i32, i32) {
    %c0_i32 = arith.constant 0 : i32
    %c0_i32_0 = arith.constant 0 : i32
    %c0_i32_1 = arith.constant 0 : i32
    return %c0_i32, %c0_i32_0 : i32, i32
  }
  func.func @transform_7(%arg0: i32) -> (i32, i32) {
    %c0_i32 = arith.constant 0 : i32
    %c0_i32_0 = arith.constant 0 : i32
    %c0_i32_1 = arith.constant 0 : i32
    return %c0_i32, %c0_i32_0 : i32, i32
  }
  func.func @transform_8(%arg0: i32) -> (i32, i32) {
    %c0_i32 = arith.constant 0 : i32
    %c0_i32_0 = arith.constant 0 : i32
    return %arg0, %c0_i32 : i32, i32
  }
  func.func @transform_9(%arg0: i32) -> (i32, i32) {
    %c0_i32 = arith.constant 0 : i32
    %c0_i32_0 = arith.constant 0 : i32
    return %arg0, %c0_i32 : i32, i32
  }
  func.func @transform_10(%arg0: i32) -> (i32, i32) {
    %c0_i32 = arith.constant 0 : i32
    %c0_i32_0 = arith.constant 0 : i32
    %c0_i32_1 = arith.constant 0 : i32
    return %c0_i32, %c0_i32_0 : i32, i32
  }
}

module attributes {stable_mosaic.version = 14 : i64} {
  func.func @_k9_body(%arg0: memref<64x256xf32, #tpu.memory_space<vmem>>, %arg1: memref<64x256xf32, #tpu.memory_space<vmem>>, %arg2: memref<64x1xf32, #tpu.memory_space<vmem>>, %arg3: memref<512x256xf32, #tpu.memory_space<vmem>>, %arg4: memref<1x256xf32, #tpu.memory_space<vmem>>, %arg5: memref<256x128xf32, #tpu.memory_space<vmem>>, %arg6: memref<1x128xf32, #tpu.memory_space<vmem>>, %arg7: memref<128x20xf32, #tpu.memory_space<vmem>>, %arg8: memref<1x20xf32, #tpu.memory_space<vmem>>, %arg9: memref<64x20xf32, #tpu.memory_space<vmem>>) attributes {dimension_semantics = [], scalar_prefetch = 0 : i64, scratch_operands = 0 : i64, tpu.core_type = #tpu.core_type<tc>} {
    %get3A = arith.constant 0 : index
    %get3A_0 = arith.constant 0 : index
    %get3A_1 = vector.load %arg2[%get3A, %get3A_0] : memref<64x1xf32, #tpu.memory_space<vmem>>, vector<64x1xf32>
    %max3A = arith.constant 1.000000e+00 : f32
    %max3A_2 = vector.broadcast %max3A : f32 to vector<64x1xf32>
    %max3A_3 = arith.maximumf %get3A_1, %max3A_2 : vector<64x1xf32>
    %div3A = arith.constant 1.000000e+00 : f32
    %div3A_4 = vector.broadcast %div3A : f32 to vector<64x1xf32>
    %div3A_5 = arith.divf %div3A_4, %max3A_3 : vector<64x1xf32>
    %get3A_6 = arith.constant 0 : index
    %get3A_7 = arith.constant 0 : index
    %get3A_8 = vector.load %arg0[%get3A_6, %get3A_7] : memref<64x256xf32, #tpu.memory_space<vmem>>, vector<64x256xf32>
    %mul3A = vector.broadcast %div3A_5 : vector<64x1xf32> to vector<64x256xf32>
    %mul3A_9 = arith.mulf %get3A_8, %mul3A : vector<64x256xf32>
    %get3A_10 = arith.constant 0 : index
    %get3A_11 = arith.constant 0 : index
    %get3A_12 = vector.load %arg1[%get3A_10, %get3A_11] : memref<64x256xf32, #tpu.memory_space<vmem>>, vector<64x256xf32>
    %mul3A_13 = vector.broadcast %div3A_5 : vector<64x1xf32> to vector<64x256xf32>
    %mul3A_14 = arith.mulf %get3A_12, %mul3A_13 : vector<64x256xf32>
    %get3A_15 = arith.constant 0 : index
    %get3A_16 = arith.constant 0 : index
    %get3A_17 = vector.load %arg3[%get3A_15, %get3A_16] : memref<512x256xf32, #tpu.memory_space<vmem>>, vector<256x256xf32>
    %dot_general3A = arith.constant dense<0.000000e+00> : vector<64x256xf32>
    %dot_general3A_18 = tpu.matmul %mul3A_9, %get3A_17, %dot_general3A {dimension_numbers = #tpu.dot_dimension_numbers<[1], [0], [0], [1], [0, 0, 1, 1], [], []>, transpose_lhs_hint = false} : vector<64x256xf32>, vector<256x256xf32>, vector<64x256xf32> -> vector<64x256xf32>
    %get3A_19 = arith.constant 256 : index
    %get3A_20 = arith.constant 0 : index
    %get3A_21 = vector.load %arg3[%get3A_19, %get3A_20] : memref<512x256xf32, #tpu.memory_space<vmem>>, vector<256x256xf32>
    %dot_general3A_22 = arith.constant dense<0.000000e+00> : vector<64x256xf32>
    %dot_general3A_23 = tpu.matmul %mul3A_14, %get3A_21, %dot_general3A_22 {dimension_numbers = #tpu.dot_dimension_numbers<[1], [0], [0], [1], [0, 0, 1, 1], [], []>, transpose_lhs_hint = false} : vector<64x256xf32>, vector<256x256xf32>, vector<64x256xf32> -> vector<64x256xf32>
    %add3A = arith.addf %dot_general3A_18, %dot_general3A_23 : vector<64x256xf32>
    %get3A_24 = arith.constant 0 : index
    %get3A_25 = arith.constant 0 : index
    %get3A_26 = vector.load %arg4[%get3A_24, %get3A_25] : memref<1x256xf32, #tpu.memory_space<vmem>>, vector<1x256xf32>
    %add3A_27 = vector.broadcast %get3A_26 : vector<1x256xf32> to vector<64x256xf32>
    %add3A_28 = arith.addf %add3A, %add3A_27 : vector<64x256xf32>
    %mul3A_29 = arith.constant 5.000000e-01 : f32
    %mul3A_30 = vector.broadcast %mul3A_29 : f32 to vector<64x256xf32>
    %mul3A_31 = arith.mulf %mul3A_30, %add3A_28 : vector<64x256xf32>
    %mul3A_32 = arith.constant 0.707106769 : f32
    %mul3A_33 = vector.broadcast %mul3A_32 : f32 to vector<64x256xf32>
    %mul3A_34 = arith.mulf %add3A_28, %mul3A_33 : vector<64x256xf32>
    %erf3A = math.erf %mul3A_34 : vector<64x256xf32>
    %add3A_35 = arith.constant 1.000000e+00 : f32
    %add3A_36 = vector.broadcast %add3A_35 : f32 to vector<64x256xf32>
    %add3A_37 = arith.addf %add3A_36, %erf3A : vector<64x256xf32>
    %mul3A_38 = arith.mulf %mul3A_31, %add3A_37 : vector<64x256xf32>
    %get3A_39 = arith.constant 0 : index
    %get3A_40 = arith.constant 0 : index
    %get3A_41 = vector.load %arg5[%get3A_39, %get3A_40] : memref<256x128xf32, #tpu.memory_space<vmem>>, vector<256x128xf32>
    %dot_general3A_42 = arith.constant dense<0.000000e+00> : vector<64x128xf32>
    %dot_general3A_43 = tpu.matmul %mul3A_38, %get3A_41, %dot_general3A_42 {dimension_numbers = #tpu.dot_dimension_numbers<[1], [0], [0], [1], [0, 0, 1, 1], [], []>, transpose_lhs_hint = false} : vector<64x256xf32>, vector<256x128xf32>, vector<64x128xf32> -> vector<64x128xf32>
    %get3A_44 = arith.constant 0 : index
    %get3A_45 = arith.constant 0 : index
    %get3A_46 = vector.load %arg6[%get3A_44, %get3A_45] : memref<1x128xf32, #tpu.memory_space<vmem>>, vector<1x128xf32>
    %add3A_47 = vector.broadcast %get3A_46 : vector<1x128xf32> to vector<64x128xf32>
    %add3A_48 = arith.addf %dot_general3A_43, %add3A_47 : vector<64x128xf32>
    %mul3A_49 = arith.constant 5.000000e-01 : f32
    %mul3A_50 = vector.broadcast %mul3A_49 : f32 to vector<64x128xf32>
    %mul3A_51 = arith.mulf %mul3A_50, %add3A_48 : vector<64x128xf32>
    %mul3A_52 = arith.constant 0.707106769 : f32
    %mul3A_53 = vector.broadcast %mul3A_52 : f32 to vector<64x128xf32>
    %mul3A_54 = arith.mulf %add3A_48, %mul3A_53 : vector<64x128xf32>
    %erf3A_55 = math.erf %mul3A_54 : vector<64x128xf32>
    %add3A_56 = arith.constant 1.000000e+00 : f32
    %add3A_57 = vector.broadcast %add3A_56 : f32 to vector<64x128xf32>
    %add3A_58 = arith.addf %add3A_57, %erf3A_55 : vector<64x128xf32>
    %mul3A_59 = arith.mulf %mul3A_51, %add3A_58 : vector<64x128xf32>
    %get3A_60 = arith.constant 0 : index
    %get3A_61 = arith.constant 0 : index
    %get3A_62 = vector.load %arg7[%get3A_60, %get3A_61] : memref<128x20xf32, #tpu.memory_space<vmem>>, vector<128x20xf32>
    %dot_general3A_63 = arith.constant dense<0.000000e+00> : vector<64x20xf32>
    %dot_general3A_64 = tpu.matmul %mul3A_59, %get3A_62, %dot_general3A_63 {dimension_numbers = #tpu.dot_dimension_numbers<[1], [0], [0], [1], [0, 0, 1, 1], [], []>, transpose_lhs_hint = false} : vector<64x128xf32>, vector<128x20xf32>, vector<64x20xf32> -> vector<64x20xf32>
    %get3A_65 = arith.constant 0 : index
    %get3A_66 = arith.constant 0 : index
    %get3A_67 = vector.load %arg8[%get3A_65, %get3A_66] : memref<1x20xf32, #tpu.memory_space<vmem>>, vector<1x20xf32>
    %add3A_68 = vector.broadcast %get3A_67 : vector<1x20xf32> to vector<64x20xf32>
    %add3A_69 = arith.addf %dot_general3A_64, %add3A_68 : vector<64x20xf32>
    %reduce_max3A = arith.constant dense<0xFF800000> : vector<64xf32>
    %reduce_max3A_70 = vector.multi_reduction <maximumf>, %add3A_69, %reduce_max3A [1] : vector<64x20xf32> to vector<64xf32>
    %broadcast_in_dim3A = vector.shape_cast %reduce_max3A_70 : vector<64xf32> to vector<64x1xf32>
    %sub3A = vector.broadcast %broadcast_in_dim3A : vector<64x1xf32> to vector<64x20xf32>
    %sub3A_71 = arith.subf %add3A_69, %sub3A : vector<64x20xf32>
    %exp3A = math.exp %sub3A_71 : vector<64x20xf32>
    %reduce_sum3A = arith.constant dense<0.000000e+00> : vector<64xf32>
    %reduce_sum3A_72 = vector.multi_reduction <add>, %exp3A, %reduce_sum3A [1] : vector<64x20xf32> to vector<64xf32>
    %broadcast_in_dim3A_73 = vector.shape_cast %reduce_sum3A_72 : vector<64xf32> to vector<64x1xf32>
    %log3A = math.log %broadcast_in_dim3A_73 : vector<64x1xf32>
    %add3A_74 = arith.addf %log3A, %broadcast_in_dim3A : vector<64x1xf32>
    %sub3A_75 = vector.broadcast %add3A_74 : vector<64x1xf32> to vector<64x20xf32>
    %sub3A_76 = arith.subf %add3A_69, %sub3A_75 : vector<64x20xf32>
    %swap3A = arith.constant 0 : index
    %swap3A_77 = arith.constant 0 : index
    %swap3A_78 = vector.load %arg9[%swap3A, %swap3A_77] : memref<64x20xf32, #tpu.memory_space<vmem>>, vector<64x20xf32>
    tpu.vector_store %arg9[%swap3A, %swap3A_77], %sub3A_76 {strides = array<i32>} : memref<64x20xf32, #tpu.memory_space<vmem>>, vector<64x20xf32>,
    return
  }
}

</mosaic_0001>

<sc_bundles>
// kernel: kernel.12.cloned.1.call-start
scs
__scs_entry_jumppad:
0x0: {  	(pc) =	sbr.rel $0x88, $3  }
0x1: {  	(tag) =	ssettag $0x0;
	lr =	simm.s32 $0x1  }
0x2: {  	[smem:$0x3F8C] =	sst lr;
	_ =	strace $0xD0000000  }
0x3: {  	_ = 	snop  }
0x4: {  	_ = 	snop  }
0x5: {  	_ = 	snop  }
0x6: {  	_ = 	snop  }
0x7: {  	_ = 	snop  }
__scs_overlays_trampoline_lowered:
0x8: {  	[smem:$0x3F9B] =	sst s0  }
0x9: {  	[smem:$0x3F9C] =	sst s1  }
0xa: {  	[smem:$0x3F9D] =	sst s2  }
0xb: {  	[smem:$0x3F9E] =	sst s3  }
0xc: {  	[smem:$0x3F9F] =	sst s4  }
0xd: {  	[smem:$0x3FA0] =	sst s5  }
0xe: {  	[smem:$0x3FA1] =	sst s6  }
0xf: {  	[smem:$0x3FA2] =	sst s7  }
0x10: {  	[smem:$0x3FA3] =	sst s8  }
0x11: {  	[smem:$0x3FA4] =	sst s9;
	s0 =	simm.s32 @!p0 $0x0  }
0x12: {  	s1 =	sld [smem:$0x3F8A];
	s0 =	simm.s32 @p0 $0x1  }
0x13: {  	[smem:$0x3FA5] =	sst s0;
	s0 =	simm.s32 @!p1 $0x0  }
0x14: {  	s2 =	sld [smem:$0x3F89];
	s0 =	simm.s32 @p1 $0x1  }
0x15: {  	[smem:$0x3FA6] =	sst s0;
	s0 =	simm.s32 @!p2 $0x0  }
0x16: {  	s3 =	sld [smem:$0x3FDB];
	s0 =	simm.s32 @p2 $0x1  }
0x17: {  	s4 =	simm.s32 $0x1BF5;
	[smem:$0x3FA8] =	sst s0  }
0x18: {  	s0 =	sld [smem:$0x3F8B];
	_ =	swait.ge [sflag:s4], $0x0  }
0x19: {  	s7 =	sld [smem:$0x3F8C]  }
0x1a: {  	s8 =	sadd.s32 $0xFFFFE003, lr  }
0x1b: {  	s9 =	sadd.s32 $0xFFFFFEF7, lr;
	s5 =	simm.s32 $0xFFFFFFFF;
	p2 =	slt.u32 s8, $0xFFFFF086  }
0x1c: {  	p1 =	slt.u32 s9, $0xF7A;
	s5 =	simm.s32 @!p2 $0x0  }
0x1d: {  	s5 =	simm.s32 @p1 $0x1;
	p0 =	seq.s32 s7, s2  }
0x1e: {  	s7 =	smul.u32 @!p0 $0xF7A, s2;
	p2 =	seq.s32 @!p0 s5, $0x0  }
0x1f: {  	s9 =	smul.u32 $0xF7A, s1;
	s8 =	simm.s32 @!p0 $0x1BF5;
	p2 =	por !p2, p0  }
0x20: {  	[sflag:s8] =	ssyncset.s32 @!p0 $0xFFFFF086;
	s6 =	sadd.s32 @!p0 s3, s7;
	s7 =	simm.s32 @!p0 $0x108  }
0x21: {  	s3 =	sadd.s32 s3, s9;
	s6 =	sadd.s32 @!p0 $0x88, s6;
	s7 =	simm.s32 @p2 $0x1082  }
0x22: {  	[simem:s7], [sflag:s8] =	dma.local @!p0 [hbm:s6], $0xF7A  }
0x23: {  	s9 =	sor.u32 $0xD0000000, s2;
	s6 =	simm.s32 $0x108;
	_ =	swait.ge @!p0 [sflag:s8], $0x0  }
0x24: {  	s3 =	sadd.s32 $0x88, s3;
	s6 =	simm.s32 @!p1 $0x1082;
	[sflag:s4] =	ssyncset.s32 $0xFFFFF086  }
0x25: {  	[simem:s6], [sflag:s4] =	dma.local [hbm:s3], $0xF7A  }
0x26: {  	[smem:$0x3F8C] =	sst s1;
	(tag) =	ssettag s2;
	_ =	strace s9  }
0x27: {  	s1 =	sld [smem:$0x3F9C]  }
0x28: {  	s2 =	sld [smem:$0x3F9D]  }
0x29: {  	s4 =	sld [smem:$0x3F9F]  }
0x2a: {  	p0 =	seq.s32 s5, $0x0;
	s5 =	sld [smem:$0x3FA0]  }
0x2b: {  	s6 =	sld [smem:$0x3FA1]  }
0x2c: {  	s7 =	sld [smem:$0x3FA2]  }
0x2d: {  	s3 =	simm.s32 $0x108;
	s8 =	sld [smem:$0x3FA3]  }
0x2e: {  	s3 =	simm.s32 @!p0 $0x1082;
	s9 =	sld [smem:$0x3FA4]  }
0x2f: {  	lr =	sadd.s32 s0, s3;
	s0 =	sld [smem:$0x3F9B]  }
0x30: {  	s3 =	sld [smem:$0x3F9E]  }
0x31: {  	[smem:$0x3FA7] =	sst s10  }
0x32: {  	s10 =	sld [smem:$0x3FA5];
	_ =	sdelay $0x3  }
0x33: {  	p0 =	seq.s32 s10, $0x1;
	s10 =	sld [smem:$0x3FA7];
	_ =	sdelay $0x3  }
0x34: {  	[smem:$0x3FA7] =	sst s10  }
0x35: {  	s10 =	sld [smem:$0x3FA6];
	_ =	sdelay $0x3  }
0x36: {  	p1 =	seq.s32 s10, $0x1;
	s10 =	sld [smem:$0x3FA7];
	_ =	sdelay $0x3  }
0x37: {  	[smem:$0x3FA7] =	sst s10  }
0x38: {  	s10 =	sld [smem:$0x3FA8]  }
0x39: {  	_ = 	snop;
	(pc) =	sbr.ind lr, $3  }
0x3a: {  	_ = 	snop  }
0x3b: {  	_ = 	snop  }
0x3c: {  	p2 =	seq.s32 s10, $0x1;
	s10 =	sld [smem:$0x3FA7]  }
0x3d: {  	_ =	shalt  }
0x3e: {  	_ =	shalt  }
0x3f: {  	_ =	shalt  }
0x40: {  	_ =	shalt  }
0x41: {  	_ =	shalt  }
0x42: {  	_ =	shalt  }
0x43: {  	_ =	shalt  }
0x44: {  	_ =	shalt  }
0x45: {  	_ =	shalt  }
0x46: {  	_ =	shalt  }
0x47: {  	_ =	shalt  }
0x48: {  	_ =	shalt  }
0x49: {  	_ =	shalt  }
0x4a: {  	_ =	shalt  }
0x4b: {  	_ =	shalt  }
0x4c: {  	_ =	shalt  }
0x4d: {  	_ =	shalt  }
0x4e: {  	_ =	shalt  }
0x4f: {  	_ =	shalt  }
0x50: {  	_ =	shalt  }
0x51: {  	_ =	shalt  }
0x52: {  	_ =	shalt  }
0x53: {  	_ =	shalt  }
0x54: {  	_ =	shalt  }
0x55: {  	_ =	shalt  }
0x56: {  	_ =	shalt  }
0x57: {  	_ =	shalt  }
0x58: {  	_ =	shalt  }
0x59: {  	_ =	shalt  }
0x5a: {  	_ =	shalt  }
0x5b: {  	_ =	shalt  }
0x5c: {  	_ =	shalt  }
0x5d: {  	_ =	shalt  }
0x5e: {  	_ =	shalt  }
0x5f: {  	_ =	shalt  }
0x60: {  	_ =	shalt  }
0x61: {  	_ =	shalt  }
0x62: {  	_ =	shalt  }
0x63: {  	_ =	shalt  }
0x64: {  	_ =	shalt  }
0x65: {  	_ =	shalt  }
0x66: {  	_ =	shalt  }
0x67: {  	_ =	shalt  }
0x68: {  	_ =	shalt  }
0x69: {  	_ =	shalt  }
0x6a: {  	_ =	shalt  }
0x6b: {  	_ =	shalt  }
0x6c: {  	_ =	shalt  }
0x6d: {  	_ =	shalt  }
0x6e: {  	_ =	shalt  }
0x6f: {  	_ =	shalt  }
0x70: {  	_ =	shalt  }
0x71: {  	_ =	shalt  }
0x72: {  	_ =	shalt  }
0x73: {  	_ =	shalt  }
0x74: {  	_ =	shalt  }
0x75: {  	_ =	shalt  }
0x76: {  	_ =	shalt  }
0x77: {  	_ =	shalt  }
0x78: {  	_ =	shalt  }
0x79: {  	_ =	shalt  }
0x7a: {  	_ =	shalt  }
0x7b: {  	_ =	shalt  }
0x7c: {  	_ =	shalt  }
0x7d: {  	_ =	shalt  }
0x7e: {  	_ =	shalt  }
0x7f: {  	_ =	shalt  }
0x80: {  	_ =	shalt  }
0x81: {  	_ =	shalt  }
0x82: {  	_ =	shalt  }
0x83: {  	_ =	shalt  }
0x84: {  	_ =	shalt  }
0x85: {  	_ =	shalt  }
0x86: {  	_ =	shalt  }
0x87: {  	_ =	shalt  }
.Lfunc_end0:
.L_simem_size_0:
called_computation_lowered:
.L_overlay_start_0:
0x88: {  	s2 =	sld [smem:$0x3FD9]  }
0x89: {  	s3 =	sld [smem:$0x3FFE];
	_ =	sdelay $0x1  }
0x8a: {  	s1 =	srdreg.scid  }
0x8b: {  	s0 =	sand.u32 $0x1, s1  }
0x8c: {  	s16 =	sshll.u32 s0, $0xA;
	s2 =	sadd.s32 s3, s2  }
0x8d: {  	s2 =	sadd.s32 s2, s16  }
0x8e: {  	[smem:$0x3FB3] =	sst s2  }
0x8f: {  	_ = 	snop  }
0x90: {  	(tm) =	ssettm $0x1  }
0x91: {  	s17 =	sld [smem:$0x3FFB];
	_ =	sdelay $0x3  }
0x92: {  	_ =	strace s17  }
0x93: {  	s2 =	sld [smem:$0x3FFC];
	_ =	sdelay $0x3  }
0x94: {  	_ =	strace s2  }
0x95: {  	s2 =	sld [smem:$0x3FFD];
	_ =	sdelay $0x3  }
0x96: {  	_ =	strace s2  }
0x97: {  	_ =	strace $0x8FFFFFFF  }
0x98: {  	s18 =	sld [smem:$0x3FDB];
	_ =	sdelay $0x1  }
0x99: {  	s19 =	simm.s32 $_scs_section_size  }
0x9a: {  	s4 =	simm.s32 $_size__tile_overlayer_lowered;
	s5 =	simm.s32 $_tile_overlayer_lowered  }
0x9b: {  	s22 =	simm.s32 $0x1BFF;
	s21 =	sshll.u32 s5, $0x1;
	s2 =	sadd.s32 s19, s18  }
0x9c: {  	s6 =	simm.s32 $0x0;
	s20 =	sshll.u32 s4, $0x1;
	s4 =	sadd.s32 s21, s2  }
0x9d: {  	[timem:s6], [sflag:s22] =	dma.local [hbm:s4], s20  }
0x9e: {  	_ =	swait.ge [sflag:s22], s20  }
0x9f: {  	s3 =	ssub.s32 $0x0, s20;
	[sflag:s22] =	ssyncset.done $0x0  }
0xa0: {  	[sflag:s22] =	ssyncadd.s32 s3;
	_ =	sdelay $0x1  }
0xa1: {  	s23 =	simm.s32 $0x1B8B  }
0xa2: {  	_ =	swait.ge [sflag:s23], $0x1  }
0xa3: {  	[sflag:s23] =	ssyncset.done $0x0  }
0xa4: {  	s25 =	simm.s32 $0x1B8E;
	s24 =	sld [smem:$0x3FFE];
	[sflag:s23] =	ssyncadd.s32 $0xFFFFFFFF  }
0xa5: {  	s26 =	simm.s32 $execute0_lowered;
	[smem:$0x3FD2] =	sst s25  }
0xa6: {  	s4 =	sshll.u32 s26, $0x1;
	_ =	strace $0x80000046;
	[dreg:$0x1] =	wrdreg $0xFFFFFFFF  }
0xa7: {  	s28 =	simm.s32 $_size_execute0_lowered;
	s2 =	sadd.s32 s2, s4;
	[dreg:$0x0] =	wrdreg $0x0  }
0xa8: {  	s4 =	sshll.u32 s28, $0x1;
	[dreg:$0x2] =	wrdreg s2  }
0xa9: {  	[dreg:$0x3] =	wrdreg s4  }
0xaa: {  	[dreg:$0x4] =	wrdreg $0xC0  }
0xab: {  	_ =	task [dreg:s6], $0x5FFFF  }
0xac: {  	[dreg:$0x1] =	wrdreg $0xFFFFFFFF  }
0xad: {  	[dreg:$0x0] =	wrdreg $0x60  }
0xae: {  	[dreg:$0x2] =	wrdreg s24  }
0xaf: {  	[dreg:$0x3] =	wrdreg $0x68000  }
0xb0: {  	[dreg:$0x4] =	wrdreg $0x9  }
0xb1: {  	_ =	task.clear_ibuf [dreg:s6], $0x5FFFF;
	_ =	strace $0x90000046  }
0xb2: {  	s29 =	simm.s32 $0x9;
	_ =	strace $0x80000048  }
0xb3: {  	_ =	swait.ge [sflag:s29], $0x1  }
0xb4: {  	[sflag:s29] =	ssyncadd.s32 $0xFFFFFFFF  }
0xb5: {  	_ =	strace $0x90000048  }
0xb6: {  	_ =	sfence  }
0xb7: {  	s30 =	sld [smem:$0x0];
	_ =	sdelay $0x2  }
0xb8: {  	s31 =	sshll.u32 s1, $0xD;
	s1 =	sshrl.u32 s1, $0x2  }
0xb9: {  	s3 =	sand.u32 $0x4000, s31;
	s1 =	sadd.s32 s1, s30  }
0xba: {  	s0 =	sor.u32 s3, s0;
	s1 =	sshll.u32 s1, $0x11  }
0xbb: {  	s0 =	sor.u32 s1, s0  }
0xbc: {  	s0 =	sadd.s32 $0x8F2B, s0  }
0xbd: {  	[sflag:s0] =	ssyncadd.remote.s32 $0x1  }
0xbe: {  	_ =	sfence.sel $0xFFFF  }
0xbf: {  	[dreg:$0x0] =	wrdreg $0xFFFFFFFF;
	(pc) =	sbr.abs _section_cstart, $3  }
0xc0: {  	[dreg:$0x1] =	wrdreg $0xFFFFFFFF  }
0xc1: {  	_ =	task.clear_ibuf [dreg:s6], $0x2FFFF;
	_ =	strace $0x9FFFFFFF  }
0xc2: {  	(tm) =	ssettm $0x7FFFFFFF  }
0xc3: {  	_ =	shalt  }
tec
execute0_lowered:
.L_overlay_start_1:
0x0: {  	(tag) =	ssettag $0x1  }
0x1: {  	s6 =	rddreg [dreg:$0x0]  }
0x2: {  	s2 =	rddreg [dreg:$0x1]  }
0x3: {  	s0 =	rddreg [dreg:$0x2]  }
0x4: {  	s1 =	stileid.u32;
	s3 =	simm.s32 $0x0;
	s5 =	srdreg.scid  }
0x5: {  	s14 =	simm.s32 $0x80;
	s15 =	simm.s32 $0x1;
	s4 =	smul.u32 $0x500, s1  }
0x6: {  	s16 =	simm.s32 $0x0;
	[smem:$0x7FF] =	sst s3;
	s28 =	smul.u32 $0x2800, s1  }
0x7: {  	s7 =	sand.u32 $0x1, s5;
	s12 =	smul.u32 $0x50000, s1;
	s5 =	sadd.s32 $0x9E00, s6  }
0x8: {  	s30 =	sshll.u32 s1, $0x6;
	_ =	strace $0x80000047;
	s8 =	smul.u32 $0x28000, s7  }
0x9: {  	s10 =	ssub.s32 $0x2, s7;
	s31 =	smul.u32 $0x5000, s7;
	s9 =	sadd.s32 s4, s6  }
0xa: {  	s4 =	sadd.s32 $0xC600, s6;
	s11 =	sshrl.u32 s10, $0x1;
	s29 =	sshrl.u32 s12, $0x2  }
0xb: {  	s12 =	simm.s32 $0x2;
	s8 =	sadd.s32 s28, s8;
	s10 =	ssub.s32 s10, s11  }
0xc: {  	s13 =	sadd.s32 s29, s2;
	s7 =	sadd.s32 $0x4E00, s9;
	s8 =	sadd.s32 s8, s6  }
0xd: {  	s6 =	sor.u32 $0x1C02, s30;
	s9 =	smax.u32 s10, $0x1;
	s10 =	sshrl.u32 s31, $0x2  }
0xe: {  	s11 =	sshrl.u32 s13, $0x3;
	s13 =	simm.s32 $0x2800;
	s8 =	sadd.s32 $0xCE00, s8  }
.LBB2_1:
0xf: {  	[spmem:s11], [sflag:s6] =	dma.local [hbm:s5], $0x2800  }
0x10: {  	_ =	swait.ge [sflag:s12], $0x2800  }
0x11: {  	[sflag:s12] =	ssyncset.done $0x0  }
0x12: {  	[sflag:s12] =	ssyncadd.s32 $0xFFFFD800  }
0x13: {  	[tilespmem:s13], [sflag:$0x2] =	stream.linear.gather [hbm4b:s4+s3], $0x4000, $0x38;
	[tilespmem:$0x1A800] =	vst v63  }
0x14: {  	_ =	swait.ge [sflag:s12], $0x4000  }
0x15: {  	[sflag:s12] =	ssyncset.done $0x0  }
0x16: {  	[sflag:s12] =	ssyncadd.s32 $0xFFFFC000  }
0x17: {  	[tilespmem:s3], [sflag:$0x2] =	stream.linear.gather [hbm4b:s7+s3], $0x2800, $0x38;
	[tilespmem:$0x1A800] =	vst v63  }
0x18: {  	_ =	swait.ge [sflag:s12], $0x2800  }
0x19: {  	[sflag:s12] =	ssyncset.done $0x0  }
0x1a: {  	[sflag:s12] =	ssyncadd.s32 $0xFFFFD800  }
0x1b: {  	s17 =	simm.s32 $0x0;
	[bflag:$0x0] =	sbarrier.arrive $0xFFFF  }
.LBB2_2:
0x1c: {  	p0 =	sne.s32 s17, $0x4E00  }
.Ltmp0:
0x1d: {  	_ = 	snop;
	(pc) =	sbr.rel @p0 .LBB2_2-.Ltmp0, $4  }
0x1e: {  	_ = 	snop  }
0x1f: {  	s18 =	sshra.s32 s17, $0x2  }
0x20: {  	s17 =	sadd.s32 $0x200, s17;
	s18 =	sadd.s32 s18, s10  }
0x21: {  	[spmem:s2] =	stream.indirect.scatter.add.f32 [tilespmem:s13], [sflag:$0x1], $0x80, s18, s14, $0xb8;
	[tilespmem:$0x1A800] =	vst v63  }
0x22: {  	_ =	swait.ge [sflag:s15], $0x4000  }
0x23: {  	s17 =	simm.s32 $0x27;
	[sflag:s15] =	ssyncset.done $0x0  }
.LBB2_4:
0x24: {  	p0 =	sne.s32 s17, $0x1;
	s17 =	sadd.s32 $0xFFFFFFFF, s17;
	[sflag:s15] =	ssyncadd.s32 $0xFFFFC000  }
.Ltmp1:
0x25: {  	(pc) =	sbr.rel @p0 .LBB2_4-.Ltmp1, $3  }
0x26: {  	_ =	sdelay $0x1  }
0x27: {  	_ =	swait.ge [sflag:s15], $0x4000  }
0x28: {  	[sflag:s15] =	ssyncset.done $0x0  }
0x29: {  	s16 =	sadd.s32 $0x1, s16  }
0x2a: {  	[sflag:s15] =	ssyncadd.s32 $0xFFFFC000;
	p0 =	sne.s32 s16, s9  }
.Ltmp2:
0x2b: {  	[bflag:$0x0] =	sbarrier.arrive $0xFFFF;
	(pc) =	sbr.rel @p0 .LBB2_1-.Ltmp2, $4  }
0x2c: {  	[hbm:s8], [sflag:s6] =	dma.local [spmem:s11], $0x2800  }
0x2d: {  	_ =	swait.ge [sflag:s12], $0x2800  }
0x2e: {  	[sflag:s12] =	ssyncset.done $0x0  }
0x2f: {  	[sflag:s12] =	ssyncadd.s32 $0xFFFFD800  }
0x30: {  	_ =	sfence.sel $0x180000  }
0x31: {  	[bflag:$0x0] =	sbarrier.arrive $0xFFFF  }
0x32: {  	p0 =	sne.s32 s1, $0x0;
	_ =	strace $0x90000047  }
0x33: {  	s0 =	sadd.s32 @!p0 $0x100000, s0;
	[bflag:$0x2] =	sbarrier.arrive $0xFFFF  }
0x34: {  	[sflag:s0] =	ssyncadd.tile.s32 @!p0 $0x1;
	_ =	shalt  }
.Lfunc_end2:
_tile_overlayer_lowered:
.L_overlay_start_2:
0x35: {  	(tag) =	ssettag $0x2  }
0x36: {  	s0 =	rddreg [dreg:$0x0];
	s2 =	stileid.u32  }
0x37: {  	s1 =	rddreg [dreg:$0x1];
	p0 =	sne.s32 s2, $0x0  }
0x38: {  	s3 =	rddreg [dreg:$0x2];
	[bflag:$0x3] =	sbarrier.arrive $0xFFFF;
	s2 =	simm.s32 @!p0 $0x1C02  }
0x39: {  	[timem:s3], [sflag:s2] =	dma.local @!p0 [hbm:s0], s1  }
0x3a: {  	s0 =	simm.s32 @!p0 $0x2  }
0x3b: {  	_ =	swait.ge @!p0 [sflag:s0], s1  }
0x3c: {  	s1 =	ssub.s32 @!p0 $0x0, s1;
	[sflag:s0] =	ssyncset.done @!p0 $0x0  }
0x3d: {  	[sflag:s0] =	ssyncadd.s32 @!p0 s1  }
0x3e: {  	[bflag:$0x3] =	sbarrier.arrive $0xFFFF  }
0x3f: {  	_ =	shalt  }

// kernel: kernel.15.cloned.1.call-start
scs
__scs_entry_jumppad:
0x0: {  	(pc) =	sbr.rel $0x88, $3  }
0x1: {  	(tag) =	ssettag $0x0;
	lr =	simm.s32 $0x1  }
0x2: {  	[smem:$0x3F8C] =	sst lr;
	_ =	strace $0xD0000000  }
0x3: {  	_ = 	snop  }
0x4: {  	_ = 	snop  }
0x5: {  	_ = 	snop  }
0x6: {  	_ = 	snop  }
0x7: {  	_ = 	snop  }
__scs_overlays_trampoline_lowered:
0x8: {  	[smem:$0x3F9B] =	sst s0  }
0x9: {  	[smem:$0x3F9C] =	sst s1  }
0xa: {  	[smem:$0x3F9D] =	sst s2  }
0xb: {  	[smem:$0x3F9E] =	sst s3  }
0xc: {  	[smem:$0x3F9F] =	sst s4  }
0xd: {  	[smem:$0x3FA0] =	sst s5  }
0xe: {  	[smem:$0x3FA1] =	sst s6  }
0xf: {  	[smem:$0x3FA2] =	sst s7  }
0x10: {  	[smem:$0x3FA3] =	sst s8  }
0x11: {  	[smem:$0x3FA4] =	sst s9;
	s0 =	simm.s32 @!p0 $0x0  }
0x12: {  	s1 =	sld [smem:$0x3F8A];
	s0 =	simm.s32 @p0 $0x1  }
0x13: {  	[smem:$0x3FA5] =	sst s0;
	s0 =	simm.s32 @!p1 $0x0  }
0x14: {  	s2 =	sld [smem:$0x3F89];
	s0 =	simm.s32 @p1 $0x1  }
0x15: {  	[smem:$0x3FA6] =	sst s0;
	s0 =	simm.s32 @!p2 $0x0  }
0x16: {  	s3 =	sld [smem:$0x3FDB];
	s0 =	simm.s32 @p2 $0x1  }
0x17: {  	s4 =	simm.s32 $0x1BF5;
	[smem:$0x3FA8] =	sst s0  }
0x18: {  	s0 =	sld [smem:$0x3F8B];
	_ =	swait.ge [sflag:s4], $0x0  }
0x19: {  	s7 =	sld [smem:$0x3F8C]  }
0x1a: {  	s8 =	sadd.s32 $0xFFFFE003, lr  }
0x1b: {  	s9 =	sadd.s32 $0xFFFFFEF7, lr;
	s5 =	simm.s32 $0xFFFFFFFF;
	p2 =	slt.u32 s8, $0xFFFFF086  }
0x1c: {  	p1 =	slt.u32 s9, $0xF7A;
	s5 =	simm.s32 @!p2 $0x0  }
0x1d: {  	s5 =	simm.s32 @p1 $0x1;
	p0 =	seq.s32 s7, s2  }
0x1e: {  	s7 =	smul.u32 @!p0 $0xF7A, s2;
	p2 =	seq.s32 @!p0 s5, $0x0  }
0x1f: {  	s9 =	smul.u32 $0xF7A, s1;
	s8 =	simm.s32 @!p0 $0x1BF5;
	p2 =	por !p2, p0  }
0x20: {  	[sflag:s8] =	ssyncset.s32 @!p0 $0xFFFFF086;
	s6 =	sadd.s32 @!p0 s3, s7;
	s7 =	simm.s32 @!p0 $0x108  }
0x21: {  	s3 =	sadd.s32 s3, s9;
	s6 =	sadd.s32 @!p0 $0x88, s6;
	s7 =	simm.s32 @p2 $0x1082  }
0x22: {  	[simem:s7], [sflag:s8] =	dma.local @!p0 [hbm:s6], $0xF7A  }
0x23: {  	s9 =	sor.u32 $0xD0000000, s2;
	s6 =	simm.s32 $0x108;
	_ =	swait.ge @!p0 [sflag:s8], $0x0  }
0x24: {  	s3 =	sadd.s32 $0x88, s3;
	s6 =	simm.s32 @!p1 $0x1082;
	[sflag:s4] =	ssyncset.s32 $0xFFFFF086  }
0x25: {  	[simem:s6], [sflag:s4] =	dma.local [hbm:s3], $0xF7A  }
0x26: {  	[smem:$0x3F8C] =	sst s1;
	(tag) =	ssettag s2;
	_ =	strace s9  }
0x27: {  	s1 =	sld [smem:$0x3F9C]  }
0x28: {  	s2 =	sld [smem:$0x3F9D]  }
0x29: {  	s4 =	sld [smem:$0x3F9F]  }
0x2a: {  	p0 =	seq.s32 s5, $0x0;
	s5 =	sld [smem:$0x3FA0]  }
0x2b: {  	s6 =	sld [smem:$0x3FA1]  }
0x2c: {  	s7 =	sld [smem:$0x3FA2]  }
0x2d: {  	s3 =	simm.s32 $0x108;
	s8 =	sld [smem:$0x3FA3]  }
0x2e: {  	s3 =	simm.s32 @!p0 $0x1082;
	s9 =	sld [smem:$0x3FA4]  }
0x2f: {  	lr =	sadd.s32 s0, s3;
	s0 =	sld [smem:$0x3F9B]  }
0x30: {  	s3 =	sld [smem:$0x3F9E]  }
0x31: {  	[smem:$0x3FA7] =	sst s10  }
0x32: {  	s10 =	sld [smem:$0x3FA5];
	_ =	sdelay $0x3  }
0x33: {  	p0 =	seq.s32 s10, $0x1;
	s10 =	sld [smem:$0x3FA7];
	_ =	sdelay $0x3  }
0x34: {  	[smem:$0x3FA7] =	sst s10  }
0x35: {  	s10 =	sld [smem:$0x3FA6];
	_ =	sdelay $0x3  }
0x36: {  	p1 =	seq.s32 s10, $0x1;
	s10 =	sld [smem:$0x3FA7];
	_ =	sdelay $0x3  }
0x37: {  	[smem:$0x3FA7] =	sst s10  }
0x38: {  	s10 =	sld [smem:$0x3FA8]  }
0x39: {  	_ = 	snop;
	(pc) =	sbr.ind lr, $3  }
0x3a: {  	_ = 	snop  }
0x3b: {  	_ = 	snop  }
0x3c: {  	p2 =	seq.s32 s10, $0x1;
	s10 =	sld [smem:$0x3FA7]  }
0x3d: {  	_ =	shalt  }
0x3e: {  	_ =	shalt  }
0x3f: {  	_ =	shalt  }
0x40: {  	_ =	shalt  }
0x41: {  	_ =	shalt  }
0x42: {  	_ =	shalt  }
0x43: {  	_ =	shalt  }
0x44: {  	_ =	shalt  }
0x45: {  	_ =	shalt  }
0x46: {  	_ =	shalt  }
0x47: {  	_ =	shalt  }
0x48: {  	_ =	shalt  }
0x49: {  	_ =	shalt  }
0x4a: {  	_ =	shalt  }
0x4b: {  	_ =	shalt  }
0x4c: {  	_ =	shalt  }
0x4d: {  	_ =	shalt  }
0x4e: {  	_ =	shalt  }
0x4f: {  	_ =	shalt  }
0x50: {  	_ =	shalt  }
0x51: {  	_ =	shalt  }
0x52: {  	_ =	shalt  }
0x53: {  	_ =	shalt  }
0x54: {  	_ =	shalt  }
0x55: {  	_ =	shalt  }
0x56: {  	_ =	shalt  }
0x57: {  	_ =	shalt  }
0x58: {  	_ =	shalt  }
0x59: {  	_ =	shalt  }
0x5a: {  	_ =	shalt  }
0x5b: {  	_ =	shalt  }
0x5c: {  	_ =	shalt  }
0x5d: {  	_ =	shalt  }
0x5e: {  	_ =	shalt  }
0x5f: {  	_ =	shalt  }
0x60: {  	_ =	shalt  }
0x61: {  	_ =	shalt  }
0x62: {  	_ =	shalt  }
0x63: {  	_ =	shalt  }
0x64: {  	_ =	shalt  }
0x65: {  	_ =	shalt  }
0x66: {  	_ =	shalt  }
0x67: {  	_ =	shalt  }
0x68: {  	_ =	shalt  }
0x69: {  	_ =	shalt  }
0x6a: {  	_ =	shalt  }
0x6b: {  	_ =	shalt  }
0x6c: {  	_ =	shalt  }
0x6d: {  	_ =	shalt  }
0x6e: {  	_ =	shalt  }
0x6f: {  	_ =	shalt  }
0x70: {  	_ =	shalt  }
0x71: {  	_ =	shalt  }
0x72: {  	_ =	shalt  }
0x73: {  	_ =	shalt  }
0x74: {  	_ =	shalt  }
0x75: {  	_ =	shalt  }
0x76: {  	_ =	shalt  }
0x77: {  	_ =	shalt  }
0x78: {  	_ =	shalt  }
0x79: {  	_ =	shalt  }
0x7a: {  	_ =	shalt  }
0x7b: {  	_ =	shalt  }
0x7c: {  	_ =	shalt  }
0x7d: {  	_ =	shalt  }
0x7e: {  	_ =	shalt  }
0x7f: {  	_ =	shalt  }
0x80: {  	_ =	shalt  }
0x81: {  	_ =	shalt  }
0x82: {  	_ =	shalt  }
0x83: {  	_ =	shalt  }
0x84: {  	_ =	shalt  }
0x85: {  	_ =	shalt  }
0x86: {  	_ =	shalt  }
0x87: {  	_ =	shalt  }
.Lfunc_end0:
.L_simem_size_0:
called_computation.1_lowered:
.L_overlay_start_0:
0x88: {  	s2 =	sld [smem:$0x3FD9]  }
0x89: {  	s3 =	sld [smem:$0x3FFE];
	_ =	sdelay $0x1  }
0x8a: {  	s1 =	srdreg.scid  }
0x8b: {  	s0 =	sand.u32 $0x1, s1  }
0x8c: {  	s16 =	sshll.u32 s0, $0xA;
	s2 =	sadd.s32 s3, s2  }
0x8d: {  	s2 =	sadd.s32 s2, s16  }
0x8e: {  	[smem:$0x3FB3] =	sst s2  }
0x8f: {  	_ = 	snop  }
0x90: {  	(tm) =	ssettm $0x1  }
0x91: {  	s17 =	sld [smem:$0x3FFB];
	_ =	sdelay $0x3  }
0x92: {  	_ =	strace s17  }
0x93: {  	s2 =	sld [smem:$0x3FFC];
	_ =	sdelay $0x3  }
0x94: {  	_ =	strace s2  }
0x95: {  	s2 =	sld [smem:$0x3FFD];
	_ =	sdelay $0x3  }
0x96: {  	_ =	strace s2  }
0x97: {  	_ =	strace $0x8FFFFFFF  }
0x98: {  	s18 =	sld [smem:$0x3FDB];
	_ =	sdelay $0x1  }
0x99: {  	s19 =	simm.s32 $_scs_section_size  }
0x9a: {  	s4 =	simm.s32 $_size__tile_overlayer_lowered;
	s5 =	simm.s32 $_tile_overlayer_lowered  }
0x9b: {  	s22 =	simm.s32 $0x1BFF;
	s21 =	sshll.u32 s5, $0x1;
	s2 =	sadd.s32 s19, s18  }
0x9c: {  	s6 =	simm.s32 $0x0;
	s20 =	sshll.u32 s4, $0x1;
	s4 =	sadd.s32 s21, s2  }
0x9d: {  	[timem:s6], [sflag:s22] =	dma.local [hbm:s4], s20  }
0x9e: {  	_ =	swait.ge [sflag:s22], s20  }
0x9f: {  	s3 =	ssub.s32 $0x0, s20;
	[sflag:s22] =	ssyncset.done $0x0  }
0xa0: {  	[sflag:s22] =	ssyncadd.s32 s3;
	_ =	sdelay $0x1  }
0xa1: {  	s23 =	simm.s32 $0x1B8B  }
0xa2: {  	_ =	swait.ge [sflag:s23], $0x1  }
0xa3: {  	[sflag:s23] =	ssyncset.done $0x0  }
0xa4: {  	s25 =	simm.s32 $0x1B8E;
	s24 =	sld [smem:$0x3FFE];
	[sflag:s23] =	ssyncadd.s32 $0xFFFFFFFF  }
0xa5: {  	s26 =	simm.s32 $execute0_lowered;
	[smem:$0x3FD2] =	sst s25  }
0xa6: {  	s4 =	sshll.u32 s26, $0x1;
	_ =	strace $0x80000049;
	[dreg:$0x1] =	wrdreg $0xFFFFFFFF  }
0xa7: {  	s28 =	simm.s32 $_size_execute0_lowered;
	s2 =	sadd.s32 s2, s4;
	[dreg:$0x0] =	wrdreg $0x0  }
0xa8: {  	s4 =	sshll.u32 s28, $0x1;
	[dreg:$0x2] =	wrdreg s2  }
0xa9: {  	[dreg:$0x3] =	wrdreg s4  }
0xaa: {  	[dreg:$0x4] =	wrdreg $0xC0  }
0xab: {  	_ =	task [dreg:s6], $0x5FFFF  }
0xac: {  	[dreg:$0x1] =	wrdreg $0xFFFFFFFF  }
0xad: {  	[dreg:$0x0] =	wrdreg $0x60  }
0xae: {  	[dreg:$0x2] =	wrdreg s24  }
0xaf: {  	[dreg:$0x3] =	wrdreg $0xA9000  }
0xb0: {  	[dreg:$0x4] =	wrdreg $0x9  }
0xb1: {  	_ =	task.clear_ibuf [dreg:s6], $0x5FFFF;
	_ =	strace $0x90000049  }
0xb2: {  	s29 =	simm.s32 $0x9;
	_ =	strace $0x8000004B  }
0xb3: {  	_ =	swait.ge [sflag:s29], $0x1  }
0xb4: {  	[sflag:s29] =	ssyncadd.s32 $0xFFFFFFFF  }
0xb5: {  	_ =	strace $0x9000004B  }
0xb6: {  	_ =	sfence  }
0xb7: {  	s30 =	sld [smem:$0x0];
	_ =	sdelay $0x2  }
0xb8: {  	s31 =	sshll.u32 s1, $0xD;
	s1 =	sshrl.u32 s1, $0x2  }
0xb9: {  	s3 =	sand.u32 $0x4000, s31;
	s1 =	sadd.s32 s1, s30  }
0xba: {  	s0 =	sor.u32 s3, s0;
	s1 =	sshll.u32 s1, $0x11  }
0xbb: {  	s0 =	sor.u32 s1, s0  }
0xbc: {  	s0 =	sadd.s32 $0x8F2B, s0  }
0xbd: {  	[sflag:s0] =	ssyncadd.remote.s32 $0x1  }
0xbe: {  	_ =	sfence.sel $0xFFFF  }
0xbf: {  	[dreg:$0x0] =	wrdreg $0xFFFFFFFF;
	(pc) =	sbr.abs _section_cstart, $3  }
0xc0: {  	[dreg:$0x1] =	wrdreg $0xFFFFFFFF  }
0xc1: {  	_ =	task.clear_ibuf [dreg:s6], $0x2FFFF;
	_ =	strace $0x9FFFFFFF  }
0xc2: {  	(tm) =	ssettm $0x7FFFFFFF  }
0xc3: {  	_ =	shalt  }
tec
execute0_lowered:
.L_overlay_start_1:
0x0: {  	(tag) =	ssettag $0x1  }
0x1: {  	s0 =	rddreg [dreg:$0x0];
	s1 =	srdreg.scid  }
0x2: {  	s2 =	rddreg [dreg:$0x1];
	s13 =	stileid.u32;
	s3 =	simm.s32 $0x0  }
0x3: {  	s15 =	simm.s32 $0x5;
	s16 =	simm.s32 $0x2800;
	s17 =	simm.s32 $0x80  }
0x4: {  	s18 =	simm.s32 $0x2900;
	s19 =	simm.s32 $0x2880;
	s20 =	simm.s32 $0x6900  }
0x5: {  	s21 =	simm.s32 $0x1;
	s22 =	simm.s32 $0x2;
	s6 =	smul.u32 $0x280, s13  }
0x6: {  	s23 =	simm.s32 $0x3;
	s24 =	simm.s32 $0x4;
	s11 =	smul.u32 $0x500, s13  }
0x7: {  	s1 =	sand.u32 $0x1, s1;
	[smem:$0x7FF] =	sst s3;
	s10 =	smul.u32 $0x50000, s13  }
0x8: {  	s4 =	sadd.s32 $0xB5000, s0;
	s28 =	sshll.u32 s13, $0x6;
	s5 =	smul.u32 $0x2800, s1  }
0x9: {  	_ =	strace $0x8000004A;
	s7 =	ssub.s32 $0x2, s1;
	s9 =	sshll.u32 s1, $0x4  }
0xa: {  	s1 =	smul.u32 $0x5000, s1;
	s8 =	sadd.s32 s11, s0;
	s12 =	sshrl.u32 s7, $0x1  }
0xb: {  	s9 =	sor.u32 s13, s9;
	s25 =	sshrl.u32 s10, $0x2;
	s6 =	sadd.s32 s6, s5  }
0xc: {  	s5 =	sadd.s32 $0xAB000, s0;
	s12 =	ssub.s32 s7, s12;
	s26 =	smul.u32 $0x500, s9  }
0xd: {  	s14 =	sadd.s32 s25, s2;
	s7 =	sor.u32 $0x1C05, s28;
	s29 =	sadd.s32 $0x4E00, s8  }
0xe: {  	s30 =	sadd.s32 s11, s1;
	s25 =	simm.s32 $0x0;
	s6 =	sshll.u32 s6, $0x4  }
0xf: {  	[dreg:$0x4] =	wrdreg s29;
	s31 =	smax.u32 s12, $0x1;
	s13 =	sor.u32 $0x20, s30  }
0x10: {  	s0 =	sadd.s32 s6, s0;
	s6 =	sadd.s32 s4, s6;
	[dreg:$0x6] =	wrdreg s31  }
0x11: {  	s10 =	sadd.s32 s26, s5;
	[dreg:$0x3] =	wrdreg s6;
	s0 =	sadd.s32 $0x58000, s0  }
0x12: {  	s14 =	sshrl.u32 s14, $0x3;
	s12 =	sadd.s32 $0x10, s10;
	[dreg:$0x5] =	wrdreg s0  }
.LBB2_1:
0x13: {  	s0 =	rddreg [dreg:$0x3]  }
0x14: {  	[spmem:s14], [sflag:s7] =	dma.local [hbm:s0], $0x2800  }
0x15: {  	_ =	swait.ge [sflag:s15], $0x2800  }
0x16: {  	[sflag:s15] =	ssyncset.done $0x0  }
0x17: {  	s1 =	rddreg [dreg:$0x4];
	[sflag:s15] =	ssyncadd.s32 $0xFFFFD800  }
0x18: {  	[tilespmem:s3], [sflag:$0x5] =	stream.linear.gather [hbm4b:s1+s3], $0x2800, $0x38;
	[tilespmem:$0x1E900] =	vst v63  }
0x19: {  	_ =	swait.ge [sflag:s15], $0x2800  }
0x1a: {  	[sflag:s15] =	ssyncset.done $0x0  }
0x1b: {  	[sflag:s15] =	ssyncadd.s32 $0xFFFFD800  }
0x1c: {  	[bflag:$0x0] =	sbarrier.arrive $0xFFFF  }
0x1d: {  	[tilespmem:s16], [sflag:$0x5] =	stream.linear.gather [hbm4b:s10+s3], $0x80, $0x38;
	[tilespmem:$0x1E900] =	vst v63  }
0x1e: {  	_ =	swait.ge [sflag:s15], $0x80  }
0x1f: {  	[sflag:s15] =	ssyncset.done $0x0  }
0x20: {  	[sflag:s15] =	ssyncadd.s32 $0xFFFFFF80  }
0x21: {  	[tilespmem:s18], [sflag:$0x1] =	stream.indirect.gather [hbm4b:s4+s17], $0x80, s16, s17, $0xb8;
	[tilespmem:$0x1E900] =	vst v63  }
0x22: {  	_ = 	snop  }
0x23: {  	[tilespmem:s19], [sflag:$0x5] =	stream.linear.gather [hbm4b:s12+s3], $0x80, $0x38;
	[tilespmem:$0x1E900] =	vst v63  }
0x24: {  	_ =	swait.ge [sflag:s15], $0x80  }
0x25: {  	[sflag:s15] =	ssyncset.done $0x0  }
0x26: {  	[sflag:s15] =	ssyncadd.s32 $0xFFFFFF80  }
0x27: {  	[tilespmem:s20], [sflag:$0x2] =	stream.indirect.gather [hbm4b:s4+s17], $0x80, s19, s17, $0xb8;
	[tilespmem:$0x1E900] =	vst v63  }
0x28: {  	_ =	swait.ge [sflag:s21], $0x4000  }
0x29: {  	[sflag:s21] =	ssyncset.done $0x0  }
0x2a: {  	[sflag:s21] =	ssyncadd.s32 $0xFFFFC000  }
0x2b: {  	[spmem:s2] =	stream.indirect.scatter.add.f32 [tilespmem:s18], [sflag:$0x3], $0x80, s3, s17, $0xb8;
	[tilespmem:$0x1E900] =	vst v63  }
0x2c: {  	s6 =	sadd.s32 $0x30, s13;
	s1 =	simm.s32 $0x20;
	_ =	swait.ge [sflag:s22], $0x4000  }
0x2d: {  	s0 =	sadd.s32 $0xFFFFFFD0, s6;
	s1 =	sand.u32 $0x60, s1;
	[sflag:s22] =	ssyncset.done $0x0  }
0x2e: {  	s0 =	sand.u32 $0xFFFFF80, s0;
	s1 =	sadd.s32 s5, s1;
	[sflag:s22] =	ssyncadd.s32 $0xFFFFC000  }
0x2f: {  	[spmem:s2] =	stream.indirect.scatter.add.f32 [tilespmem:s20], [sflag:$0x4], $0x80, s17, s17, $0xb8;
	[tilespmem:$0x1E900] =	vst v63  }
0x30: {  	s1 =	sadd.s32 s0, s1  }
0x31: {  	[tilespmem:s16], [sflag:$0x5] =	stream.linear.gather [hbm4b:s1+s3], $0x80, $0x38;
	[tilespmem:$0x1E900] =	vst v63  }
0x32: {  	_ =	swait.ge [sflag:s15], $0x80  }
0x33: {  	[sflag:s15] =	ssyncset.done $0x0  }
0x34: {  	[sflag:s15] =	ssyncadd.s32 $0xFFFFFF80  }
0x35: {  	s8 =	simm.s32 $0x30;
	_ =	swait.ge [sflag:s23], $0x4000  }
0x36: {  	s1 =	sand.u32 $0x70, s8;
	[sflag:s23] =	ssyncset.done $0x0  }
0x37: {  	s1 =	sadd.s32 s5, s1;
	[sflag:s23] =	ssyncadd.s32 $0xFFFFC000  }
0x38: {  	[tilespmem:s18], [sflag:$0x1] =	stream.indirect.gather [hbm4b:s4+s17], $0x80, s16, s17, $0xb8;
	[tilespmem:$0x1E900] =	vst v63  }
0x39: {  	s0 =	sadd.s32 s0, s1  }
0x3a: {  	[tilespmem:s19], [sflag:$0x5] =	stream.linear.gather [hbm4b:s0+s3], $0x80, $0x38;
	[tilespmem:$0x1E900] =	vst v63  }
0x3b: {  	_ =	swait.ge [sflag:s15], $0x80  }
0x3c: {  	[sflag:s15] =	ssyncset.done $0x0  }
0x3d: {  	[sflag:s15] =	ssyncadd.s32 $0xFFFFFF80  }
0x3e: {  	_ =	swait.ge [sflag:s24], $0x4000  }
0x3f: {  	s9 =	simm.s32 $0x100;
	[sflag:s24] =	ssyncset.done $0x0  }
0x40: {  	s29 =	simm.s32 $0x50;
	s30 =	simm.s32 $0x180;
	[sflag:s24] =	ssyncadd.s32 $0xFFFFC000  }
0x41: {  	[tilespmem:s20], [sflag:$0x2] =	stream.indirect.gather [hbm4b:s4+s17], $0x80, s19, s17, $0xb8;
	[tilespmem:$0x1E900] =	vst v63  }
0x42: {  	s28 =	simm.s32 $0x200;
	s26 =	simm.s32 $0x280;
	_ =	swait.ge [sflag:s21], $0x4000  }
0x43: {  	s31 =	simm.s32 $0x300;
	s6 =	simm.s32 $0x40;
	[sflag:s21] =	ssyncset.done $0x0  }
0x44: {  	s11 =	sadd.s32 $0x50, s13;
	s6 =	sand.u32 $0x60, s6;
	[sflag:s21] =	ssyncadd.s32 $0xFFFFC000  }
0x45: {  	[spmem:s2] =	stream.indirect.scatter.add.f32 [tilespmem:s18], [sflag:$0x3], $0x80, s9, s17, $0xb8;
	[tilespmem:$0x1E900] =	vst v63  }
0x46: {  	s1 =	sadd.s32 $0xFFFFFFD0, s11;
	s0 =	simm.s32 $0x70;
	_ =	swait.ge [sflag:s22], $0x4000  }
.LBB2_2:
0x47: {  	s1 =	sand.u32 $0xFFFFF80, s1;
	s6 =	sadd.s32 s5, s6;
	[sflag:s22] =	ssyncset.done $0x0  }
0x48: {  	s8 =	smov.u32 s0;
	s9 =	smov.u32 s28;
	s28 =	smov.u32 s31  }
0x49: {  	s11 =	sadd.s32 $0x20, s0;
	s6 =	sadd.s32 s1, s6;
	[sflag:s22] =	ssyncadd.s32 $0xFFFFC000  }
0x4a: {  	[spmem:s2] =	stream.indirect.scatter.add.f32 [tilespmem:s20], [sflag:$0x4], $0x80, s30, s17, $0xb8;
	[tilespmem:$0x1E900] =	vst v63  }
0x4b: {  	p0 =	sne.s32 s0, $0x4F0;
	s30 =	smov.u32 s26;
	s26 =	sadd.s32 $0x80, s31  }
0x4c: {  	[tilespmem:s16], [sflag:$0x5] =	stream.linear.gather [hbm4b:s6+s3], $0x80, $0x38;
	[tilespmem:$0x1E900] =	vst v63  }
0x4d: {  	_ =	swait.ge [sflag:s15], $0x80  }
0x4e: {  	[sflag:s15] =	ssyncset.done $0x0  }
0x4f: {  	[sflag:s15] =	ssyncadd.s32 $0xFFFFFF80  }
0x50: {  	_ =	swait.ge [sflag:s23], $0x4000  }
0x51: {  	s0 =	sand.u32 $0x70, s29;
	s29 =	smov.u32 s8;
	[sflag:s23] =	ssyncset.done $0x0  }
0x52: {  	s0 =	sadd.s32 s5, s0;
	[sflag:s23] =	ssyncadd.s32 $0xFFFFC000  }
0x53: {  	[tilespmem:s18], [sflag:$0x1] =	stream.indirect.gather [hbm4b:s4+s17], $0x80, s16, s17, $0xb8;
	[tilespmem:$0x1E900] =	vst v63  }
0x54: {  	s0 =	sadd.s32 s1, s0  }
0x55: {  	[tilespmem:s19], [sflag:$0x5] =	stream.linear.gather [hbm4b:s0+s3], $0x80, $0x38;
	[tilespmem:$0x1E900] =	vst v63  }
0x56: {  	_ =	swait.ge [sflag:s15], $0x80  }
0x57: {  	[sflag:s15] =	ssyncset.done $0x0  }
0x58: {  	[sflag:s15] =	ssyncadd.s32 $0xFFFFFF80  }
0x59: {  	_ =	swait.ge [sflag:s24], $0x4000  }
0x5a: {  	[sflag:s24] =	ssyncset.done $0x0  }
0x5b: {  	[sflag:s24] =	ssyncadd.s32 $0xFFFFC000  }
0x5c: {  	[tilespmem:s20], [sflag:$0x2] =	stream.indirect.gather [hbm4b:s4+s17], $0x80, s19, s17, $0xb8;
	[tilespmem:$0x1E900] =	vst v63  }
.Ltmp0:
0x5d: {  	_ =	swait.ge [sflag:s21], $0x4000;
	(pc) =	sbr.rel @p0 .LBB2_2-.Ltmp0, $4  }
0x5e: {  	s31 =	sadd.s32 $0x100, s31;
	s6 =	sadd.s32 $0xFFFFFFF0, s29;
	[sflag:s21] =	ssyncset.done $0x0  }
0x5f: {  	s6 =	sand.u32 $0x60, s6;
	s0 =	sadd.s32 s29, s13;
	[sflag:s21] =	ssyncadd.s32 $0xFFFFC000  }
0x60: {  	[spmem:s2] =	stream.indirect.scatter.add.f32 [tilespmem:s18], [sflag:$0x3], $0x80, s9, s17, $0xb8;
	[tilespmem:$0x1E900] =	vst v63  }
0x61: {  	s1 =	sadd.s32 $0xFFFFFFD0, s0;
	s0 =	smov.u32 s11;
	_ =	swait.ge [sflag:s22], $0x4000  }
0x62: {  	[sflag:s22] =	ssyncset.done $0x0  }
0x63: {  	s0 =	sand.u32 $0xFFFFF80, s1;
	s11 =	sadd.s32 s5, s6;
	[sflag:s22] =	ssyncadd.s32 $0xFFFFC000  }
0x64: {  	[spmem:s2] =	stream.indirect.scatter.add.f32 [tilespmem:s20], [sflag:$0x4], $0x80, s30, s17, $0xb8;
	[tilespmem:$0x1E900] =	vst v63  }
0x65: {  	s1 =	sadd.s32 s0, s11  }
0x66: {  	[tilespmem:s16], [sflag:$0x5] =	stream.linear.gather [hbm4b:s1+s3], $0x80, $0x38;
	[tilespmem:$0x1E900] =	vst v63  }
0x67: {  	_ =	swait.ge [sflag:s15], $0x80  }
0x68: {  	[sflag:s15] =	ssyncset.done $0x0  }
0x69: {  	[sflag:s15] =	ssyncadd.s32 $0xFFFFFF80  }
0x6a: {  	_ =	swait.ge [sflag:s23], $0x4000  }
0x6b: {  	s29 =	sand.u32 $0x70, s29;
	[sflag:s23] =	ssyncset.done $0x0  }
0x6c: {  	s1 =	sadd.s32 s5, s29;
	[sflag:s23] =	ssyncadd.s32 $0xFFFFC000  }
0x6d: {  	[tilespmem:s18], [sflag:$0x1] =	stream.indirect.gather [hbm4b:s4+s17], $0x80, s16, s17, $0xb8;
	[tilespmem:$0x1E900] =	vst v63  }
0x6e: {  	s0 =	sadd.s32 s0, s1  }
0x6f: {  	[tilespmem:s19], [sflag:$0x5] =	stream.linear.gather [hbm4b:s0+s3], $0x80, $0x38;
	[tilespmem:$0x1E900] =	vst v63  }
0x70: {  	_ =	swait.ge [sflag:s15], $0x80  }
0x71: {  	[sflag:s15] =	ssyncset.done $0x0  }
0x72: {  	[sflag:s15] =	ssyncadd.s32 $0xFFFFFF80  }
0x73: {  	_ =	swait.ge [sflag:s24], $0x4000  }
0x74: {  	[sflag:s24] =	ssyncset.done $0x0  }
0x75: {  	[sflag:s24] =	ssyncadd.s32 $0xFFFFC000  }
0x76: {  	[tilespmem:s20], [sflag:$0x2] =	stream.indirect.gather [hbm4b:s4+s17], $0x80, s19, s17, $0xb8;
	[tilespmem:$0x1E900] =	vst v63  }
0x77: {  	_ =	swait.ge [sflag:s21], $0x4000  }
0x78: {  	[sflag:s21] =	ssyncset.done $0x0  }
0x79: {  	[sflag:s21] =	ssyncadd.s32 $0xFFFFC000  }
0x7a: {  	[spmem:s2] =	stream.indirect.scatter.add.f32 [tilespmem:s18], [sflag:$0x3], $0x80, s28, s17, $0xb8;
	[tilespmem:$0x1E900] =	vst v63  }
0x7b: {  	_ =	swait.ge [sflag:s22], $0x4000  }
0x7c: {  	[sflag:s22] =	ssyncset.done $0x0  }
0x7d: {  	[sflag:s22] =	ssyncadd.s32 $0xFFFFC000  }
0x7e: {  	[spmem:s2] =	stream.indirect.scatter.add.f32 [tilespmem:s20], [sflag:$0x4], $0x80, s26, s17, $0xb8;
	[tilespmem:$0x1E900] =	vst v63  }
0x7f: {  	_ =	swait.ge [sflag:s23], $0x4000  }
0x80: {  	[sflag:s23] =	ssyncset.done $0x0  }
0x81: {  	[sflag:s23] =	ssyncadd.s32 $0xFFFFC000  }
0x82: {  	_ =	swait.ge [sflag:s24], $0x4000  }
0x83: {  	[sflag:s24] =	ssyncset.done $0x0  }
0x84: {  	[sflag:s24] =	ssyncadd.s32 $0xFFFFC000  }
0x85: {  	[bflag:$0x0] =	sbarrier.arrive $0xFFFF  }
0x86: {  	s30 =	rddreg [dreg:$0x5]  }
0x87: {  	[hbm:s30], [sflag:s7] =	dma.local [spmem:s14], $0x2800  }
0x88: {  	_ =	swait.ge [sflag:s15], $0x2800  }
0x89: {  	s25 =	sadd.s32 $0x1, s25;
	s31 =	rddreg [dreg:$0x6]  }
0x8a: {  	p0 =	sne.s32 s25, s31  }
.Ltmp1:
0x8b: {  	_ = 	snop;
	(pc) =	sbr.rel @p0 .LBB2_1-.Ltmp1, $3  }
0x8c: {  	_ =	sdelay $0x1  }
0x8d: {  	[sflag:s15] =	ssyncset.done $0x0  }
0x8e: {  	[sflag:s15] =	ssyncadd.s32 $0xFFFFD800  }
0x8f: {  	_ =	sfence.sel $0x180000  }
0x90: {  	[bflag:$0x0] =	sbarrier.arrive $0xFFFF  }
0x91: {  	_ =	strace $0x9000004A  }
0x92: {  	s0 =	stileid.u32;
	[bflag:$0x2] =	sbarrier.arrive $0xFFFF  }
0x93: {  	p0 =	sne.s32 s0, $0x0;
	s0 =	rddreg [dreg:$0x2]  }
0x94: {  	s0 =	sadd.s32 @!p0 $0x100000, s0  }
0x95: {  	[sflag:s0] =	ssyncadd.tile.s32 @!p0 $0x1;
	_ =	shalt  }
.Lfunc_end2:
_tile_overlayer_lowered:
.L_overlay_start_2:
0x96: {  	(tag) =	ssettag $0x2  }
0x97: {  	s0 =	rddreg [dreg:$0x0];
	s2 =	stileid.u32  }
0x98: {  	s1 =	rddreg [dreg:$0x1];
	p0 =	sne.s32 s2, $0x0  }
0x99: {  	s3 =	rddreg [dreg:$0x2];
	[bflag:$0x3] =	sbarrier.arrive $0xFFFF;
	s2 =	simm.s32 @!p0 $0x1C05  }
0x9a: {  	[timem:s3], [sflag:s2] =	dma.local @!p0 [hbm:s0], s1  }
0x9b: {  	s0 =	simm.s32 @!p0 $0x5  }
0x9c: {  	_ =	swait.ge @!p0 [sflag:s0], s1  }
0x9d: {  	s1 =	ssub.s32 @!p0 $0x0, s1;
	[sflag:s0] =	ssyncset.done @!p0 $0x0  }
0x9e: {  	[sflag:s0] =	ssyncadd.s32 @!p0 s1  }
0x9f: {  	[bflag:$0x3] =	sbarrier.arrive $0xFFFF  }
0xa0: {  	_ =	shalt  }

// kernel: kernel.18.cloned.1.call-start
scs
__scs_entry_jumppad:
0x0: {  	(pc) =	sbr.rel $0x88, $3  }
0x1: {  	(tag) =	ssettag $0x0;
	lr =	simm.s32 $0x1  }
0x2: {  	[smem:$0x3F8C] =	sst lr;
	_ =	strace $0xD0000000  }
0x3: {  	_ = 	snop  }
0x4: {  	_ = 	snop  }
0x5: {  	_ = 	snop  }
0x6: {  	_ = 	snop  }
0x7: {  	_ = 	snop  }
__scs_overlays_trampoline_lowered:
0x8: {  	[smem:$0x3F9B] =	sst s0  }
0x9: {  	[smem:$0x3F9C] =	sst s1  }
0xa: {  	[smem:$0x3F9D] =	sst s2  }
0xb: {  	[smem:$0x3F9E] =	sst s3  }
0xc: {  	[smem:$0x3F9F] =	sst s4  }
0xd: {  	[smem:$0x3FA0] =	sst s5  }
0xe: {  	[smem:$0x3FA1] =	sst s6  }
0xf: {  	[smem:$0x3FA2] =	sst s7  }
0x10: {  	[smem:$0x3FA3] =	sst s8  }
0x11: {  	[smem:$0x3FA4] =	sst s9;
	s0 =	simm.s32 @!p0 $0x0  }
0x12: {  	s1 =	sld [smem:$0x3F8A];
	s0 =	simm.s32 @p0 $0x1  }
0x13: {  	[smem:$0x3FA5] =	sst s0;
	s0 =	simm.s32 @!p1 $0x0  }
0x14: {  	s2 =	sld [smem:$0x3F89];
	s0 =	simm.s32 @p1 $0x1  }
0x15: {  	[smem:$0x3FA6] =	sst s0;
	s0 =	simm.s32 @!p2 $0x0  }
0x16: {  	s3 =	sld [smem:$0x3FDB];
	s0 =	simm.s32 @p2 $0x1  }
0x17: {  	s4 =	simm.s32 $0x1BF5;
	[smem:$0x3FA8] =	sst s0  }
0x18: {  	s0 =	sld [smem:$0x3F8B];
	_ =	swait.ge [sflag:s4], $0x0  }
0x19: {  	s7 =	sld [smem:$0x3F8C]  }
0x1a: {  	s8 =	sadd.s32 $0xFFFFE003, lr  }
0x1b: {  	s9 =	sadd.s32 $0xFFFFFEF7, lr;
	s5 =	simm.s32 $0xFFFFFFFF;
	p2 =	slt.u32 s8, $0xFFFFF086  }
0x1c: {  	p1 =	slt.u32 s9, $0xF7A;
	s5 =	simm.s32 @!p2 $0x0  }
0x1d: {  	s5 =	simm.s32 @p1 $0x1;
	p0 =	seq.s32 s7, s2  }
0x1e: {  	s7 =	smul.u32 @!p0 $0xF7A, s2;
	p2 =	seq.s32 @!p0 s5, $0x0  }
0x1f: {  	s9 =	smul.u32 $0xF7A, s1;
	s8 =	simm.s32 @!p0 $0x1BF5;
	p2 =	por !p2, p0  }
0x20: {  	[sflag:s8] =	ssyncset.s32 @!p0 $0xFFFFF086;
	s6 =	sadd.s32 @!p0 s3, s7;
	s7 =	simm.s32 @!p0 $0x108  }
0x21: {  	s3 =	sadd.s32 s3, s9;
	s6 =	sadd.s32 @!p0 $0x88, s6;
	s7 =	simm.s32 @p2 $0x1082  }
0x22: {  	[simem:s7], [sflag:s8] =	dma.local @!p0 [hbm:s6], $0xF7A  }
0x23: {  	s9 =	sor.u32 $0xD0000000, s2;
	s6 =	simm.s32 $0x108;
	_ =	swait.ge @!p0 [sflag:s8], $0x0  }
0x24: {  	s3 =	sadd.s32 $0x88, s3;
	s6 =	simm.s32 @!p1 $0x1082;
	[sflag:s4] =	ssyncset.s32 $0xFFFFF086  }
0x25: {  	[simem:s6], [sflag:s4] =	dma.local [hbm:s3], $0xF7A  }
0x26: {  	[smem:$0x3F8C] =	sst s1;
	(tag) =	ssettag s2;
	_ =	strace s9  }
0x27: {  	s1 =	sld [smem:$0x3F9C]  }
0x28: {  	s2 =	sld [smem:$0x3F9D]  }
0x29: {  	s4 =	sld [smem:$0x3F9F]  }
0x2a: {  	p0 =	seq.s32 s5, $0x0;
	s5 =	sld [smem:$0x3FA0]  }
0x2b: {  	s6 =	sld [smem:$0x3FA1]  }
0x2c: {  	s7 =	sld [smem:$0x3FA2]  }
0x2d: {  	s3 =	simm.s32 $0x108;
	s8 =	sld [smem:$0x3FA3]  }
0x2e: {  	s3 =	simm.s32 @!p0 $0x1082;
	s9 =	sld [smem:$0x3FA4]  }
0x2f: {  	lr =	sadd.s32 s0, s3;
	s0 =	sld [smem:$0x3F9B]  }
0x30: {  	s3 =	sld [smem:$0x3F9E]  }
0x31: {  	[smem:$0x3FA7] =	sst s10  }
0x32: {  	s10 =	sld [smem:$0x3FA5];
	_ =	sdelay $0x3  }
0x33: {  	p0 =	seq.s32 s10, $0x1;
	s10 =	sld [smem:$0x3FA7];
	_ =	sdelay $0x3  }
0x34: {  	[smem:$0x3FA7] =	sst s10  }
0x35: {  	s10 =	sld [smem:$0x3FA6];
	_ =	sdelay $0x3  }
0x36: {  	p1 =	seq.s32 s10, $0x1;
	s10 =	sld [smem:$0x3FA7];
	_ =	sdelay $0x3  }
0x37: {  	[smem:$0x3FA7] =	sst s10  }
0x38: {  	s10 =	sld [smem:$0x3FA8]  }
0x39: {  	_ = 	snop;
	(pc) =	sbr.ind lr, $3  }
0x3a: {  	_ = 	snop  }
0x3b: {  	_ = 	snop  }
0x3c: {  	p2 =	seq.s32 s10, $0x1;
	s10 =	sld [smem:$0x3FA7]  }
0x3d: {  	_ =	shalt  }
0x3e: {  	_ =	shalt  }
0x3f: {  	_ =	shalt  }
0x40: {  	_ =	shalt  }
0x41: {  	_ =	shalt  }
0x42: {  	_ =	shalt  }
0x43: {  	_ =	shalt  }
0x44: {  	_ =	shalt  }
0x45: {  	_ =	shalt  }
0x46: {  	_ =	shalt  }
0x47: {  	_ =	shalt  }
0x48: {  	_ =	shalt  }
0x49: {  	_ =	shalt  }
0x4a: {  	_ =	shalt  }
0x4b: {  	_ =	shalt  }
0x4c: {  	_ =	shalt  }
0x4d: {  	_ =	shalt  }
0x4e: {  	_ =	shalt  }
0x4f: {  	_ =	shalt  }
0x50: {  	_ =	shalt  }
0x51: {  	_ =	shalt  }
0x52: {  	_ =	shalt  }
0x53: {  	_ =	shalt  }
0x54: {  	_ =	shalt  }
0x55: {  	_ =	shalt  }
0x56: {  	_ =	shalt  }
0x57: {  	_ =	shalt  }
0x58: {  	_ =	shalt  }
0x59: {  	_ =	shalt  }
0x5a: {  	_ =	shalt  }
0x5b: {  	_ =	shalt  }
0x5c: {  	_ =	shalt  }
0x5d: {  	_ =	shalt  }
0x5e: {  	_ =	shalt  }
0x5f: {  	_ =	shalt  }
0x60: {  	_ =	shalt  }
0x61: {  	_ =	shalt  }
0x62: {  	_ =	shalt  }
0x63: {  	_ =	shalt  }
0x64: {  	_ =	shalt  }
0x65: {  	_ =	shalt  }
0x66: {  	_ =	shalt  }
0x67: {  	_ =	shalt  }
0x68: {  	_ =	shalt  }
0x69: {  	_ =	shalt  }
0x6a: {  	_ =	shalt  }
0x6b: {  	_ =	shalt  }
0x6c: {  	_ =	shalt  }
0x6d: {  	_ =	shalt  }
0x6e: {  	_ =	shalt  }
0x6f: {  	_ =	shalt  }
0x70: {  	_ =	shalt  }
0x71: {  	_ =	shalt  }
0x72: {  	_ =	shalt  }
0x73: {  	_ =	shalt  }
0x74: {  	_ =	shalt  }
0x75: {  	_ =	shalt  }
0x76: {  	_ =	shalt  }
0x77: {  	_ =	shalt  }
0x78: {  	_ =	shalt  }
0x79: {  	_ =	shalt  }
0x7a: {  	_ =	shalt  }
0x7b: {  	_ =	shalt  }
0x7c: {  	_ =	shalt  }
0x7d: {  	_ =	shalt  }
0x7e: {  	_ =	shalt  }
0x7f: {  	_ =	shalt  }
0x80: {  	_ =	shalt  }
0x81: {  	_ =	shalt  }
0x82: {  	_ =	shalt  }
0x83: {  	_ =	shalt  }
0x84: {  	_ =	shalt  }
0x85: {  	_ =	shalt  }
0x86: {  	_ =	shalt  }
0x87: {  	_ =	shalt  }
.Lfunc_end0:
.L_simem_size_0:
called_computation.2_lowered:
.L_overlay_start_0:
0x88: {  	s2 =	sld [smem:$0x3FD9]  }
0x89: {  	s3 =	sld [smem:$0x3FFE];
	_ =	sdelay $0x1  }
0x8a: {  	s1 =	srdreg.scid  }
0x8b: {  	s0 =	sand.u32 $0x1, s1  }
0x8c: {  	s16 =	sshll.u32 s0, $0xA;
	s2 =	sadd.s32 s3, s2  }
0x8d: {  	s2 =	sadd.s32 s2, s16  }
0x8e: {  	[smem:$0x3FB3] =	sst s2  }
0x8f: {  	_ = 	snop  }
0x90: {  	(tm) =	ssettm $0x1  }
0x91: {  	s17 =	sld [smem:$0x3FFB];
	_ =	sdelay $0x3  }
0x92: {  	_ =	strace s17  }
0x93: {  	s2 =	sld [smem:$0x3FFC];
	_ =	sdelay $0x3  }
0x94: {  	_ =	strace s2  }
0x95: {  	s2 =	sld [smem:$0x3FFD];
	_ =	sdelay $0x3  }
0x96: {  	_ =	strace s2  }
0x97: {  	_ =	strace $0x8FFFFFFF  }
0x98: {  	s18 =	sld [smem:$0x3FDB];
	_ =	sdelay $0x1  }
0x99: {  	s19 =	simm.s32 $_scs_section_size  }
0x9a: {  	s4 =	simm.s32 $_size__tile_overlayer_lowered;
	s5 =	simm.s32 $_tile_overlayer_lowered  }
0x9b: {  	s22 =	simm.s32 $0x1BFF;
	s21 =	sshll.u32 s5, $0x1;
	s2 =	sadd.s32 s19, s18  }
0x9c: {  	s6 =	simm.s32 $0x0;
	s20 =	sshll.u32 s4, $0x1;
	s4 =	sadd.s32 s21, s2  }
0x9d: {  	[timem:s6], [sflag:s22] =	dma.local [hbm:s4], s20  }
0x9e: {  	_ =	swait.ge [sflag:s22], s20  }
0x9f: {  	s3 =	ssub.s32 $0x0, s20;
	[sflag:s22] =	ssyncset.done $0x0  }
0xa0: {  	[sflag:s22] =	ssyncadd.s32 s3;
	_ =	sdelay $0x1  }
0xa1: {  	s23 =	simm.s32 $0x1B8B  }
0xa2: {  	_ =	swait.ge [sflag:s23], $0x1  }
0xa3: {  	[sflag:s23] =	ssyncset.done $0x0  }
0xa4: {  	s25 =	simm.s32 $0x1B8E;
	s24 =	sld [smem:$0x3FFE];
	[sflag:s23] =	ssyncadd.s32 $0xFFFFFFFF  }
0xa5: {  	s26 =	simm.s32 $execute0_lowered;
	[smem:$0x3FD2] =	sst s25  }
0xa6: {  	s4 =	sshll.u32 s26, $0x1;
	_ =	strace $0x8000004C;
	[dreg:$0x1] =	wrdreg $0xFFFFFFFF  }
0xa7: {  	s28 =	simm.s32 $_size_execute0_lowered;
	s2 =	sadd.s32 s2, s4;
	[dreg:$0x0] =	wrdreg $0x0  }
0xa8: {  	s4 =	sshll.u32 s28, $0x1;
	[dreg:$0x2] =	wrdreg s2  }
0xa9: {  	[dreg:$0x3] =	wrdreg s4  }
0xaa: {  	[dreg:$0x4] =	wrdreg $0xC0  }
0xab: {  	_ =	task [dreg:s6], $0x5FFFF  }
0xac: {  	[dreg:$0x1] =	wrdreg $0xFFFFFFFF  }
0xad: {  	[dreg:$0x0] =	wrdreg $0x60  }
0xae: {  	[dreg:$0x2] =	wrdreg s24  }
0xaf: {  	[dreg:$0x3] =	wrdreg $0xA9000  }
0xb0: {  	[dreg:$0x4] =	wrdreg $0x9  }
0xb1: {  	_ =	task.clear_ibuf [dreg:s6], $0x5FFFF;
	_ =	strace $0x9000004C  }
0xb2: {  	s29 =	simm.s32 $0x9;
	_ =	strace $0x8000004E  }
0xb3: {  	_ =	swait.ge [sflag:s29], $0x1  }
0xb4: {  	[sflag:s29] =	ssyncadd.s32 $0xFFFFFFFF  }
0xb5: {  	_ =	strace $0x9000004E  }
0xb6: {  	_ =	sfence  }
0xb7: {  	s30 =	sld [smem:$0x0];
	_ =	sdelay $0x2  }
0xb8: {  	s31 =	sshll.u32 s1, $0xD;
	s1 =	sshrl.u32 s1, $0x2  }
0xb9: {  	s3 =	sand.u32 $0x4000, s31;
	s1 =	sadd.s32 s1, s30  }
0xba: {  	s0 =	sor.u32 s3, s0;
	s1 =	sshll.u32 s1, $0x11  }
0xbb: {  	s0 =	sor.u32 s1, s0  }
0xbc: {  	s0 =	sadd.s32 $0x8F2B, s0  }
0xbd: {  	[sflag:s0] =	ssyncadd.remote.s32 $0x1  }
0xbe: {  	_ =	sfence.sel $0xFFFF  }
0xbf: {  	[dreg:$0x0] =	wrdreg $0xFFFFFFFF;
	(pc) =	sbr.abs _section_cstart, $3  }
0xc0: {  	[dreg:$0x1] =	wrdreg $0xFFFFFFFF  }
0xc1: {  	_ =	task.clear_ibuf [dreg:s6], $0x2FFFF;
	_ =	strace $0x9FFFFFFF  }
0xc2: {  	(tm) =	ssettm $0x7FFFFFFF  }
0xc3: {  	_ =	shalt  }
tec
execute0_lowered:
.L_overlay_start_1:
0x0: {  	(tag) =	ssettag $0x1  }
0x1: {  	s0 =	rddreg [dreg:$0x0];
	s1 =	srdreg.scid  }
0x2: {  	s2 =	rddreg [dreg:$0x1];
	s13 =	stileid.u32;
	s3 =	simm.s32 $0x0  }
0x3: {  	s15 =	simm.s32 $0x5;
	s16 =	simm.s32 $0x2800;
	s17 =	simm.s32 $0x80  }
0x4: {  	s18 =	simm.s32 $0x2900;
	s19 =	simm.s32 $0x2880;
	s20 =	simm.s32 $0x6900  }
0x5: {  	s21 =	simm.s32 $0x1;
	s22 =	simm.s32 $0x2;
	s6 =	smul.u32 $0x280, s13  }
0x6: {  	s23 =	simm.s32 $0x3;
	s24 =	simm.s32 $0x4;
	s11 =	smul.u32 $0x500, s13  }
0x7: {  	s1 =	sand.u32 $0x1, s1;
	[smem:$0x7FF] =	sst s3;
	s10 =	smul.u32 $0x50000, s13  }
0x8: {  	s4 =	sadd.s32 $0xB5000, s0;
	s28 =	sshll.u32 s13, $0x6;
	s5 =	smul.u32 $0x2800, s1  }
0x9: {  	_ =	strace $0x8000004D;
	s7 =	ssub.s32 $0x2, s1;
	s9 =	sshll.u32 s1, $0x4  }
0xa: {  	s1 =	smul.u32 $0x5000, s1;
	s8 =	sadd.s32 s11, s0;
	s12 =	sshrl.u32 s7, $0x1  }
0xb: {  	s9 =	sor.u32 s13, s9;
	s25 =	sshrl.u32 s10, $0x2;
	s6 =	sadd.s32 s6, s5  }
0xc: {  	s5 =	sadd.s32 $0xAB000, s0;
	s12 =	ssub.s32 s7, s12;
	s26 =	smul.u32 $0x500, s9  }
0xd: {  	s14 =	sadd.s32 s25, s2;
	s7 =	sor.u32 $0x1C05, s28;
	s29 =	sadd.s32 $0x4E00, s8  }
0xe: {  	s30 =	sadd.s32 s11, s1;
	s25 =	simm.s32 $0x0;
	s6 =	sshll.u32 s6, $0x4  }
0xf: {  	[dreg:$0x4] =	wrdreg s29;
	s31 =	smax.u32 s12, $0x1;
	s13 =	sor.u32 $0x20, s30  }
0x10: {  	s0 =	sadd.s32 s6, s0;
	s6 =	sadd.s32 s4, s6;
	[dreg:$0x6] =	wrdreg s31  }
0x11: {  	s10 =	sadd.s32 s26, s5;
	[dreg:$0x3] =	wrdreg s6;
	s0 =	sadd.s32 $0x58000, s0  }
0x12: {  	s14 =	sshrl.u32 s14, $0x3;
	s12 =	sadd.s32 $0x10, s10;
	[dreg:$0x5] =	wrdreg s0  }
.LBB2_1:
0x13: {  	s0 =	rddreg [dreg:$0x3]  }
0x14: {  	[spmem:s14], [sflag:s7] =	dma.local [hbm:s0], $0x2800  }
0x15: {  	_ =	swait.ge [sflag:s15], $0x2800  }
0x16: {  	[sflag:s15] =	ssyncset.done $0x0  }
0x17: {  	s1 =	rddreg [dreg:$0x4];
	[sflag:s15] =	ssyncadd.s32 $0xFFFFD800  }
0x18: {  	[tilespmem:s3], [sflag:$0x5] =	stream.linear.gather [hbm4b:s1+s3], $0x2800, $0x38;
	[tilespmem:$0x1E900] =	vst v63  }
0x19: {  	_ =	swait.ge [sflag:s15], $0x2800  }
0x1a: {  	[sflag:s15] =	ssyncset.done $0x0  }
0x1b: {  	[sflag:s15] =	ssyncadd.s32 $0xFFFFD800  }
0x1c: {  	[bflag:$0x0] =	sbarrier.arrive $0xFFFF  }
0x1d: {  	[tilespmem:s16], [sflag:$0x5] =	stream.linear.gather [hbm4b:s10+s3], $0x80, $0x38;
	[tilespmem:$0x1E900] =	vst v63  }
0x1e: {  	_ =	swait.ge [sflag:s15], $0x80  }
0x1f: {  	[sflag:s15] =	ssyncset.done $0x0  }
0x20: {  	[sflag:s15] =	ssyncadd.s32 $0xFFFFFF80  }
0x21: {  	[tilespmem:s18], [sflag:$0x1] =	stream.indirect.gather [hbm4b:s4+s17], $0x80, s16, s17, $0xb8;
	[tilespmem:$0x1E900] =	vst v63  }
0x22: {  	_ = 	snop  }
0x23: {  	[tilespmem:s19], [sflag:$0x5] =	stream.linear.gather [hbm4b:s12+s3], $0x80, $0x38;
	[tilespmem:$0x1E900] =	vst v63  }
0x24: {  	_ =	swait.ge [sflag:s15], $0x80  }
0x25: {  	[sflag:s15] =	ssyncset.done $0x0  }
0x26: {  	[sflag:s15] =	ssyncadd.s32 $0xFFFFFF80  }
0x27: {  	[tilespmem:s20], [sflag:$0x2] =	stream.indirect.gather [hbm4b:s4+s17], $0x80, s19, s17, $0xb8;
	[tilespmem:$0x1E900] =	vst v63  }
0x28: {  	_ =	swait.ge [sflag:s21], $0x4000  }
0x29: {  	[sflag:s21] =	ssyncset.done $0x0  }
0x2a: {  	[sflag:s21] =	ssyncadd.s32 $0xFFFFC000  }
0x2b: {  	[spmem:s2] =	stream.indirect.scatter.add.f32 [tilespmem:s18], [sflag:$0x3], $0x80, s3, s17, $0xb8;
	[tilespmem:$0x1E900] =	vst v63  }
0x2c: {  	s6 =	sadd.s32 $0x30, s13;
	s1 =	simm.s32 $0x20;
	_ =	swait.ge [sflag:s22], $0x4000  }
0x2d: {  	s0 =	sadd.s32 $0xFFFFFFD0, s6;
	s1 =	sand.u32 $0x60, s1;
	[sflag:s22] =	ssyncset.done $0x0  }
0x2e: {  	s0 =	sand.u32 $0xFFFFF80, s0;
	s1 =	sadd.s32 s5, s1;
	[sflag:s22] =	ssyncadd.s32 $0xFFFFC000  }
0x2f: {  	[spmem:s2] =	stream.indirect.scatter.add.f32 [tilespmem:s20], [sflag:$0x4], $0x80, s17, s17, $0xb8;
	[tilespmem:$0x1E900] =	vst v63  }
0x30: {  	s1 =	sadd.s32 s0, s1  }
0x31: {  	[tilespmem:s16], [sflag:$0x5] =	stream.linear.gather [hbm4b:s1+s3], $0x80, $0x38;
	[tilespmem:$0x1E900] =	vst v63  }
0x32: {  	_ =	swait.ge [sflag:s15], $0x80  }
0x33: {  	[sflag:s15] =	ssyncset.done $0x0  }
0x34: {  	[sflag:s15] =	ssyncadd.s32 $0xFFFFFF80  }
0x35: {  	s8 =	simm.s32 $0x30;
	_ =	swait.ge [sflag:s23], $0x4000  }
0x36: {  	s1 =	sand.u32 $0x70, s8;
	[sflag:s23] =	ssyncset.done $0x0  }
0x37: {  	s1 =	sadd.s32 s5, s1;
	[sflag:s23] =	ssyncadd.s32 $0xFFFFC000  }
0x38: {  	[tilespmem:s18], [sflag:$0x1] =	stream.indirect.gather [hbm4b:s4+s17], $0x80, s16, s17, $0xb8;
	[tilespmem:$0x1E900] =	vst v63  }
0x39: {  	s0 =	sadd.s32 s0, s1  }
0x3a: {  	[tilespmem:s19], [sflag:$0x5] =	stream.linear.gather [hbm4b:s0+s3], $0x80, $0x38;
	[tilespmem:$0x1E900] =	vst v63  }
0x3b: {  	_ =	swait.ge [sflag:s15], $0x80  }
0x3c: {  	[sflag:s15] =	ssyncset.done $0x0  }
0x3d: {  	[sflag:s15] =	ssyncadd.s32 $0xFFFFFF80  }
0x3e: {  	_ =	swait.ge [sflag:s24], $0x4000  }
0x3f: {  	s9 =	simm.s32 $0x100;
	[sflag:s24] =	ssyncset.done $0x0  }
0x40: {  	s29 =	simm.s32 $0x50;
	s30 =	simm.s32 $0x180;
	[sflag:s24] =	ssyncadd.s32 $0xFFFFC000  }
0x41: {  	[tilespmem:s20], [sflag:$0x2] =	stream.indirect.gather [hbm4b:s4+s17], $0x80, s19, s17, $0xb8;
	[tilespmem:$0x1E900] =	vst v63  }
0x42: {  	s28 =	simm.s32 $0x200;
	s26 =	simm.s32 $0x280;
	_ =	swait.ge [sflag:s21], $0x4000  }
0x43: {  	s31 =	simm.s32 $0x300;
	s6 =	simm.s32 $0x40;
	[sflag:s21] =	ssyncset.done $0x0  }
0x44: {  	s11 =	sadd.s32 $0x50, s13;
	s6 =	sand.u32 $0x60, s6;
	[sflag:s21] =	ssyncadd.s32 $0xFFFFC000  }
0x45: {  	[spmem:s2] =	stream.indirect.scatter.add.f32 [tilespmem:s18], [sflag:$0x3], $0x80, s9, s17, $0xb8;
	[tilespmem:$0x1E900] =	vst v63  }
0x46: {  	s1 =	sadd.s32 $0xFFFFFFD0, s11;
	s0 =	simm.s32 $0x70;
	_ =	swait.ge [sflag:s22], $0x4000  }
.LBB2_2:
0x47: {  	s1 =	sand.u32 $0xFFFFF80, s1;
	s6 =	sadd.s32 s5, s6;
	[sflag:s22] =	ssyncset.done $0x0  }
0x48: {  	s8 =	smov.u32 s0;
	s9 =	smov.u32 s28;
	s28 =	smov.u32 s31  }
0x49: {  	s11 =	sadd.s32 $0x20, s0;
	s6 =	sadd.s32 s1, s6;
	[sflag:s22] =	ssyncadd.s32 $0xFFFFC000  }
0x4a: {  	[spmem:s2] =	stream.indirect.scatter.add.f32 [tilespmem:s20], [sflag:$0x4], $0x80, s30, s17, $0xb8;
	[tilespmem:$0x1E900] =	vst v63  }
0x4b: {  	p0 =	sne.s32 s0, $0x4F0;
	s30 =	smov.u32 s26;
	s26 =	sadd.s32 $0x80, s31  }
0x4c: {  	[tilespmem:s16], [sflag:$0x5] =	stream.linear.gather [hbm4b:s6+s3], $0x80, $0x38;
	[tilespmem:$0x1E900] =	vst v63  }
0x4d: {  	_ =	swait.ge [sflag:s15], $0x80  }
0x4e: {  	[sflag:s15] =	ssyncset.done $0x0  }
0x4f: {  	[sflag:s15] =	ssyncadd.s32 $0xFFFFFF80  }
0x50: {  	_ =	swait.ge [sflag:s23], $0x4000  }
0x51: {  	s0 =	sand.u32 $0x70, s29;
	s29 =	smov.u32 s8;
	[sflag:s23] =	ssyncset.done $0x0  }
0x52: {  	s0 =	sadd.s32 s5, s0;
	[sflag:s23] =	ssyncadd.s32 $0xFFFFC000  }
0x53: {  	[tilespmem:s18], [sflag:$0x1] =	stream.indirect.gather [hbm4b:s4+s17], $0x80, s16, s17, $0xb8;
	[tilespmem:$0x1E900] =	vst v63  }
0x54: {  	s0 =	sadd.s32 s1, s0  }
0x55: {  	[tilespmem:s19], [sflag:$0x5] =	stream.linear.gather [hbm4b:s0+s3], $0x80, $0x38;
	[tilespmem:$0x1E900] =	vst v63  }
0x56: {  	_ =	swait.ge [sflag:s15], $0x80  }
0x57: {  	[sflag:s15] =	ssyncset.done $0x0  }
0x58: {  	[sflag:s15] =	ssyncadd.s32 $0xFFFFFF80  }
0x59: {  	_ =	swait.ge [sflag:s24], $0x4000  }
0x5a: {  	[sflag:s24] =	ssyncset.done $0x0  }
0x5b: {  	[sflag:s24] =	ssyncadd.s32 $0xFFFFC000  }
0x5c: {  	[tilespmem:s20], [sflag:$0x2] =	stream.indirect.gather [hbm4b:s4+s17], $0x80, s19, s17, $0xb8;
	[tilespmem:$0x1E900] =	vst v63  }
.Ltmp0:
0x5d: {  	_ =	swait.ge [sflag:s21], $0x4000;
	(pc) =	sbr.rel @p0 .LBB2_2-.Ltmp0, $4  }
0x5e: {  	s31 =	sadd.s32 $0x100, s31;
	s6 =	sadd.s32 $0xFFFFFFF0, s29;
	[sflag:s21] =	ssyncset.done $0x0  }
0x5f: {  	s6 =	sand.u32 $0x60, s6;
	s0 =	sadd.s32 s29, s13;
	[sflag:s21] =	ssyncadd.s32 $0xFFFFC000  }
0x60: {  	[spmem:s2] =	stream.indirect.scatter.add.f32 [tilespmem:s18], [sflag:$0x3], $0x80, s9, s17, $0xb8;
	[tilespmem:$0x1E900] =	vst v63  }
0x61: {  	s1 =	sadd.s32 $0xFFFFFFD0, s0;
	s0 =	smov.u32 s11;
	_ =	swait.ge [sflag:s22], $0x4000  }
0x62: {  	[sflag:s22] =	ssyncset.done $0x0  }
0x63: {  	s0 =	sand.u32 $0xFFFFF80, s1;
	s11 =	sadd.s32 s5, s6;
	[sflag:s22] =	ssyncadd.s32 $0xFFFFC000  }
0x64: {  	[spmem:s2] =	stream.indirect.scatter.add.f32 [tilespmem:s20], [sflag:$0x4], $0x80, s30, s17, $0xb8;
	[tilespmem:$0x1E900] =	vst v63  }
0x65: {  	s1 =	sadd.s32 s0, s11  }
0x66: {  	[tilespmem:s16], [sflag:$0x5] =	stream.linear.gather [hbm4b:s1+s3], $0x80, $0x38;
	[tilespmem:$0x1E900] =	vst v63  }
0x67: {  	_ =	swait.ge [sflag:s15], $0x80  }
0x68: {  	[sflag:s15] =	ssyncset.done $0x0  }
0x69: {  	[sflag:s15] =	ssyncadd.s32 $0xFFFFFF80  }
0x6a: {  	_ =	swait.ge [sflag:s23], $0x4000  }
0x6b: {  	s29 =	sand.u32 $0x70, s29;
	[sflag:s23] =	ssyncset.done $0x0  }
0x6c: {  	s1 =	sadd.s32 s5, s29;
	[sflag:s23] =	ssyncadd.s32 $0xFFFFC000  }
0x6d: {  	[tilespmem:s18], [sflag:$0x1] =	stream.indirect.gather [hbm4b:s4+s17], $0x80, s16, s17, $0xb8;
	[tilespmem:$0x1E900] =	vst v63  }
0x6e: {  	s0 =	sadd.s32 s0, s1  }
0x6f: {  	[tilespmem:s19], [sflag:$0x5] =	stream.linear.gather [hbm4b:s0+s3], $0x80, $0x38;
	[tilespmem:$0x1E900] =	vst v63  }
0x70: {  	_ =	swait.ge [sflag:s15], $0x80  }
0x71: {  	[sflag:s15] =	ssyncset.done $0x0  }
0x72: {  	[sflag:s15] =	ssyncadd.s32 $0xFFFFFF80  }
0x73: {  	_ =	swait.ge [sflag:s24], $0x4000  }
0x74: {  	[sflag:s24] =	ssyncset.done $0x0  }
0x75: {  	[sflag:s24] =	ssyncadd.s32 $0xFFFFC000  }
0x76: {  	[tilespmem:s20], [sflag:$0x2] =	stream.indirect.gather [hbm4b:s4+s17], $0x80, s19, s17, $0xb8;
	[tilespmem:$0x1E900] =	vst v63  }
0x77: {  	_ =	swait.ge [sflag:s21], $0x4000  }
0x78: {  	[sflag:s21] =	ssyncset.done $0x0  }
0x79: {  	[sflag:s21] =	ssyncadd.s32 $0xFFFFC000  }
0x7a: {  	[spmem:s2] =	stream.indirect.scatter.add.f32 [tilespmem:s18], [sflag:$0x3], $0x80, s28, s17, $0xb8;
	[tilespmem:$0x1E900] =	vst v63  }
0x7b: {  	_ =	swait.ge [sflag:s22], $0x4000  }
0x7c: {  	[sflag:s22] =	ssyncset.done $0x0  }
0x7d: {  	[sflag:s22] =	ssyncadd.s32 $0xFFFFC000  }
0x7e: {  	[spmem:s2] =	stream.indirect.scatter.add.f32 [tilespmem:s20], [sflag:$0x4], $0x80, s26, s17, $0xb8;
	[tilespmem:$0x1E900] =	vst v63  }
0x7f: {  	_ =	swait.ge [sflag:s23], $0x4000  }
0x80: {  	[sflag:s23] =	ssyncset.done $0x0  }
0x81: {  	[sflag:s23] =	ssyncadd.s32 $0xFFFFC000  }
0x82: {  	_ =	swait.ge [sflag:s24], $0x4000  }
0x83: {  	[sflag:s24] =	ssyncset.done $0x0  }
0x84: {  	[sflag:s24] =	ssyncadd.s32 $0xFFFFC000  }
0x85: {  	[bflag:$0x0] =	sbarrier.arrive $0xFFFF  }
0x86: {  	s30 =	rddreg [dreg:$0x5]  }
0x87: {  	[hbm:s30], [sflag:s7] =	dma.local [spmem:s14], $0x2800  }
0x88: {  	_ =	swait.ge [sflag:s15], $0x2800  }
0x89: {  	s25 =	sadd.s32 $0x1, s25;
	s31 =	rddreg [dreg:$0x6]  }
0x8a: {  	p0 =	sne.s32 s25, s31  }
.Ltmp1:
0x8b: {  	_ = 	snop;
	(pc) =	sbr.rel @p0 .LBB2_1-.Ltmp1, $3  }
0x8c: {  	_ =	sdelay $0x1  }
0x8d: {  	[sflag:s15] =	ssyncset.done $0x0  }
0x8e: {  	[sflag:s15] =	ssyncadd.s32 $0xFFFFD800  }
0x8f: {  	_ =	sfence.sel $0x180000  }
0x90: {  	[bflag:$0x0] =	sbarrier.arrive $0xFFFF  }
0x91: {  	_ =	strace $0x9000004D  }
0x92: {  	s0 =	stileid.u32;
	[bflag:$0x2] =	sbarrier.arrive $0xFFFF  }
0x93: {  	p0 =	sne.s32 s0, $0x0;
	s0 =	rddreg [dreg:$0x2]  }
0x94: {  	s0 =	sadd.s32 @!p0 $0x100000, s0  }
0x95: {  	[sflag:s0] =	ssyncadd.tile.s32 @!p0 $0x1;
	_ =	shalt  }
.Lfunc_end2:
_tile_overlayer_lowered:
.L_overlay_start_2:
0x96: {  	(tag) =	ssettag $0x2  }
0x97: {  	s0 =	rddreg [dreg:$0x0];
	s2 =	stileid.u32  }
0x98: {  	s1 =	rddreg [dreg:$0x1];
	p0 =	sne.s32 s2, $0x0  }
0x99: {  	s3 =	rddreg [dreg:$0x2];
	[bflag:$0x3] =	sbarrier.arrive $0xFFFF;
	s2 =	simm.s32 @!p0 $0x1C05  }
0x9a: {  	[timem:s3], [sflag:s2] =	dma.local @!p0 [hbm:s0], s1  }
0x9b: {  	s0 =	simm.s32 @!p0 $0x5  }
0x9c: {  	_ =	swait.ge @!p0 [sflag:s0], s1  }
0x9d: {  	s1 =	ssub.s32 @!p0 $0x0, s1;
	[sflag:s0] =	ssyncset.done @!p0 $0x0  }
0x9e: {  	[sflag:s0] =	ssyncadd.s32 @!p0 s1  }
0x9f: {  	[bflag:$0x3] =	sbarrier.arrive $0xFFFF  }
0xa0: {  	_ =	shalt  }

</sc_bundles>
